<compile_context>
chip_gen: v7x
topology: tpu7x:2x2x1
jax: 0.10.2.dev20260603
libtpu: 0.0.44.dev20260713+nightly
codegen_flags: <defaults>
</compile_context>

<pallas_src>
import functools

import jax
import jax.numpy as jnp
from jax import lax
from jax.experimental import pallas as pl
from jax.experimental.pallas import tpu as pltpu
from jax.experimental.pallas import tpu_sc as plsc

_ROWS, _COLS = 8192, 4096
_TC_ROWS = 4608
_SC_ROWS = _ROWS - _TC_ROWS
_BLOCK_ROWS = 512

_NW = 32
_ROWS_PER_W = _SC_ROWS // _NW
_CHUNK_ROWS = 8
_NCHUNK = _ROWS_PER_W // _CHUNK_ROWS
_NBUF = 2

_MESH = plsc.VectorSubcoreMesh(core_axis_name="c", subcore_axis_name="s")


def _tc_body(x_ref, o_ref):
    o_ref[...] = x_ref[...]


def _tc_copy(x):
    return pl.pallas_call(
        _tc_body,
        out_shape=jax.ShapeDtypeStruct((_TC_ROWS, _COLS), x.dtype),
        grid=(_TC_ROWS // _BLOCK_ROWS,),
        in_specs=[pl.BlockSpec((_BLOCK_ROWS, _COLS), lambda i: (i, 0))],
        out_specs=pl.BlockSpec((_BLOCK_ROWS, _COLS), lambda i: (i, 0)),
    )(x)


@functools.partial(
    pl.kernel,
    out_type=jax.ShapeDtypeStruct((_SC_ROWS, _COLS), jnp.float32),
    mesh=_MESH,
    scratch_types=[
        pltpu.VMEM((_NBUF, _CHUNK_ROWS, _COLS), jnp.float32),
        pltpu.SemaphoreType.DMA((_NBUF,)),
        pltpu.SemaphoreType.DMA((_NBUF,)),
    ],
)
def _sc_copy(x_hbm, o_hbm, buf, in_sems, out_sems):
    wid = lax.axis_index("s") * 2 + lax.axis_index("c")
    base = wid * _ROWS_PER_W

    def in_slice(i):
        return pl.ds(_TC_ROWS + base + i * _CHUNK_ROWS, _CHUNK_ROWS)

    def out_slice(i):
        return pl.ds(base + i * _CHUNK_ROWS, _CHUNK_ROWS)

    for b in range(_NBUF):
        pltpu.async_copy(x_hbm.at[in_slice(b)], buf.at[b], in_sems.at[b])

    for i in range(_NCHUNK):
        b = i % _NBUF
        pltpu.make_async_copy(x_hbm.at[in_slice(i)], buf.at[b],
                              in_sems.at[b]).wait()
        pltpu.async_copy(buf.at[b], o_hbm.at[out_slice(i)], out_sems.at[b])
        if i + _NBUF < _NCHUNK:
            pltpu.make_async_copy(buf.at[b], o_hbm.at[out_slice(i)],
                                  out_sems.at[b]).wait()
            pltpu.async_copy(x_hbm.at[in_slice(i + _NBUF)], buf.at[b],
                             in_sems.at[b])

    for i in range(_NCHUNK - _NBUF, _NCHUNK):
        b = i % _NBUF
        pltpu.make_async_copy(buf.at[b], o_hbm.at[out_slice(i)],
                              out_sems.at[b]).wait()


def kernel(x):
    top = _tc_copy(x)
    bottom = _sc_copy(x)
    return jnp.concatenate([top, bottom], axis=0)

# --- scband reference (transcript-rebuilt; emitter-appended) ---
"""Pipeline reference for scband-ksmetric-selector-26680336842775 (READ-ONLY COPY).

The authoritative reference and input builder live on the scoring server;
editing this copy changes nothing except your own understanding.
"""

import jax, jax.numpy as jnp
import numpy as np

def setup_inputs(seed: int = 0) -> dict:
    key = jax.random.key(seed)
    x = jax.random.normal(key, (8192, 4096), dtype=jnp.float32)
    return {"x": x}

def reference(x):
    # KSMetricSelector.forward is an identity function: return x
    return x

if __name__ == "__main__":
    import jax
    _d = setup_inputs()
    print(jax.jit(kernel)(*tuple(_d.values())))

</pallas_src>

<mosaic_0001>
#map = affine_map<(d0, d1) -> (0, 0)>
module attributes {stable_mosaic.version = 14 : i64} {
  func.func @_sc_copy(%arg0: i32, %arg1: i32, %arg2: memref<8192x4096xf32, #tpu.memory_space<hbm>>, %arg3: memref<3584x4096xf32, #tpu.memory_space<hbm>>, %arg4: memref<2x8x4096xf32, #tpu.memory_space<vmem>>, %arg5: memref<2x!tpu.dma_semaphore, #tpu.memory_space<semaphore_mem>>, %arg6: memref<2x!tpu.dma_semaphore, #tpu.memory_space<semaphore_mem>>) attributes {dimension_semantics = [#tpu.dimension_semantics<core_parallel>, #tpu.dimension_semantics<subcore_parallel>], iteration_bounds = array<i64: 2, 16>, scalar_prefetch = 0 : i64, scratch_operands = 3 : i64, tpu.core_type = #tpu.core_type<sc_vector_subcore>, window_params = [{transform_indices = #map}, {transform_indices = #map}]} {
    %mul3A = arith.constant 2 : i32
    %mul3A_0 = arith.muli %arg1, %mul3A : i32
    %add3A = arith.addi %mul3A_0, %arg0 : i32
    %mul3A_1 = arith.constant 112 : i32
    %mul3A_2 = arith.muli %add3A, %mul3A_1 : i32
    %add3A_3 = arith.constant 4608 : i32
    %add3A_4 = arith.addi %add3A_3, %mul3A_2 : i32
    %add3A_5 = arith.constant 0 : i32
    %add3A_6 = arith.addi %add3A_4, %add3A_5 : i32
    %dma_start3A = arith.constant 0 : i32
    %dma_start3A_7 = arith.constant 0 : i32
    %dma_start3A_8 = arith.constant 0 : i32
    %dma_start3A_9 = arith.constant 0 : i32
    %dma_start3A_10 = tpu.memref_slice %arg4[%dma_start3A, %dma_start3A_8, %dma_start3A_9] : memref<2x8x4096xf32, #tpu.memory_space<vmem>> -> memref<1x8x4096xf32, #tpu.memory_space<vmem>>
    %dma_start3A_11 = tpu.memref_squeeze %dma_start3A_10 : memref<1x8x4096xf32, #tpu.memory_space<vmem>> -> memref<8x4096xf32, #tpu.memory_space<vmem>>
    %dma_start3A_12 = arith.constant 0 : i32
    %dma_start3A_13 = tpu.memref_slice %arg2[%add3A_6, %dma_start3A_12] : memref<8192x4096xf32, #tpu.memory_space<hbm>> -> memref<8x4096xf32, #tpu.memory_space<hbm>>
    %dma_start3A_14 = tpu.memref_slice %arg5[%dma_start3A_7] : memref<2x!tpu.dma_semaphore, #tpu.memory_space<semaphore_mem>> -> memref<1x!tpu.dma_semaphore, #tpu.memory_space<semaphore_mem>>
    %dma_start3A_15 = tpu.memref_squeeze %dma_start3A_14 : memref<1x!tpu.dma_semaphore, #tpu.memory_space<semaphore_mem>> -> memref<!tpu.dma_semaphore, #tpu.memory_space<semaphore_mem>>
    %dma_start3A_16 = arith.constant 0 : i32
    %dma_start3A_17 = arith.constant 0 : i32
    %dma_start3A_18 = tpu.memref_slice %arg4[%dma_start3A, %dma_start3A_16, %dma_start3A_17] : memref<2x8x4096xf32, #tpu.memory_space<vmem>> -> memref<1x8x4096xf32, #tpu.memory_space<vmem>>
    %dma_start3A_19 = tpu.memref_squeeze %dma_start3A_18 : memref<1x8x4096xf32, #tpu.memory_space<vmem>> -> memref<8x4096xf32, #tpu.memory_space<vmem>>
    %dma_start3A_20 = arith.constant 0 : i32
    %dma_start3A_21 = tpu.memref_slice %arg2[%add3A_6, %dma_start3A_20] : memref<8192x4096xf32, #tpu.memory_space<hbm>> -> memref<8x4096xf32, #tpu.memory_space<hbm>>
    tpu.enqueue_dma source(%dma_start3A_21 : memref<8x4096xf32, #tpu.memory_space<hbm>>) target(%dma_start3A_19 : memref<8x4096xf32, #tpu.memory_space<vmem>>) target_semaphore(%dma_start3A_15 : memref<!tpu.dma_semaphore, #tpu.memory_space<semaphore_mem>>)
    %add3A_22 = arith.constant 4608 : i32
    %add3A_23 = arith.addi %add3A_22, %mul3A_2 : i32
    %add3A_24 = arith.constant 8 : i32
    %add3A_25 = arith.addi %add3A_23, %add3A_24 : i32
    %dma_start3A_26 = arith.constant 1 : i32
    %dma_start3A_27 = arith.constant 1 : i32
    %dma_start3A_28 = arith.constant 0 : i32
    %dma_start3A_29 = arith.constant 0 : i32
    %dma_start3A_30 = tpu.memref_slice %arg4[%dma_start3A_26, %dma_start3A_28, %dma_start3A_29] : memref<2x8x4096xf32, #tpu.memory_space<vmem>> -> memref<1x8x4096xf32, #tpu.memory_space<vmem>>
    %dma_start3A_31 = tpu.memref_squeeze %dma_start3A_30 : memref<1x8x4096xf32, #tpu.memory_space<vmem>> -> memref<8x4096xf32, #tpu.memory_space<vmem>>
    %dma_start3A_32 = arith.constant 0 : i32
    %dma_start3A_33 = tpu.memref_slice %arg2[%add3A_25, %dma_start3A_32] : memref<8192x4096xf32, #tpu.memory_space<hbm>> -> memref<8x4096xf32, #tpu.memory_space<hbm>>
    %dma_start3A_34 = tpu.memref_slice %arg5[%dma_start3A_27] : memref<2x!tpu.dma_semaphore, #tpu.memory_space<semaphore_mem>> -> memref<1x!tpu.dma_semaphore, #tpu.memory_space<semaphore_mem>>
    %dma_start3A_35 = tpu.memref_squeeze %dma_start3A_34 : memref<1x!tpu.dma_semaphore, #tpu.memory_space<semaphore_mem>> -> memref<!tpu.dma_semaphore, #tpu.memory_space<semaphore_mem>>
    %dma_start3A_36 = arith.constant 0 : i32
    %dma_start3A_37 = arith.constant 0 : i32
    %dma_start3A_38 = tpu.memref_slice %arg4[%dma_start3A_26, %dma_start3A_36, %dma_start3A_37] : memref<2x8x4096xf32, #tpu.memory_space<vmem>> -> memref<1x8x4096xf32, #tpu.memory_space<vmem>>
    %dma_start3A_39 = tpu.memref_squeeze %dma_start3A_38 : memref<1x8x4096xf32, #tpu.memory_space<vmem>> -> memref<8x4096xf32, #tpu.memory_space<vmem>>
    %dma_start3A_40 = arith.constant 0 : i32
    %dma_start3A_41 = tpu.memref_slice %arg2[%add3A_25, %dma_start3A_40] : memref<8192x4096xf32, #tpu.memory_space<hbm>> -> memref<8x4096xf32, #tpu.memory_space<hbm>>
    tpu.enqueue_dma source(%dma_start3A_41 : memref<8x4096xf32, #tpu.memory_space<hbm>>) target(%dma_start3A_39 : memref<8x4096xf32, #tpu.memory_space<vmem>>) target_semaphore(%dma_start3A_35 : memref<!tpu.dma_semaphore, #tpu.memory_space<semaphore_mem>>)
    %add3A_42 = arith.constant 4608 : i32
    %add3A_43 = arith.addi %add3A_42, %mul3A_2 : i32
    %add3A_44 = arith.constant 0 : i32
    %add3A_45 = arith.addi %add3A_43, %add3A_44 : i32
    %dma_wait3A = arith.constant 0 : i32
    %dma_wait3A_46 = arith.constant 0 : i32
    %dma_wait3A_47 = arith.constant 0 : i32
    %dma_wait3A_48 = arith.constant 0 : i32
    %dma_wait3A_49 = tpu.memref_slice %arg4[%dma_wait3A, %dma_wait3A_47, %dma_wait3A_48] : memref<2x8x4096xf32, #tpu.memory_space<vmem>> -> memref<1x8x4096xf32, #tpu.memory_space<vmem>>
    %dma_wait3A_50 = tpu.memref_squeeze %dma_wait3A_49 : memref<1x8x4096xf32, #tpu.memory_space<vmem>> -> memref<8x4096xf32, #tpu.memory_space<vmem>>
    %dma_wait3A_51 = arith.constant 0 : i32
    %dma_wait3A_52 = tpu.memref_slice %arg2[%add3A_45, %dma_wait3A_51] : memref<8192x4096xf32, #tpu.memory_space<hbm>> -> memref<8x4096xf32, #tpu.memory_space<hbm>>
    %dma_wait3A_53 = tpu.memref_slice %arg5[%dma_wait3A_46] : memref<2x!tpu.dma_semaphore, #tpu.memory_space<semaphore_mem>> -> memref<1x!tpu.dma_semaphore, #tpu.memory_space<semaphore_mem>>
    %dma_wait3A_54 = tpu.memref_squeeze %dma_wait3A_53 : memref<1x!tpu.dma_semaphore, #tpu.memory_space<semaphore_mem>> -> memref<!tpu.dma_semaphore, #tpu.memory_space<semaphore_mem>>
    %dma_wait3A_55 = arith.constant 0 : i32
    %dma_wait3A_56 = arith.constant 0 : i32
    %dma_wait3A_57 = tpu.memref_slice %arg4[%dma_wait3A, %dma_wait3A_55, %dma_wait3A_56] : memref<2x8x4096xf32, #tpu.memory_space<vmem>> -> memref<1x8x4096xf32, #tpu.memory_space<vmem>>
    %dma_wait3A_58 = tpu.memref_squeeze %dma_wait3A_57 : memref<1x8x4096xf32, #tpu.memory_space<vmem>> -> memref<8x4096xf32, #tpu.memory_space<vmem>>
    %dma_wait3A_59 = arith.constant 0 : i32
    %dma_wait3A_60 = tpu.memref_slice %arg2[%add3A_45, %dma_wait3A_59] : memref<8192x4096xf32, #tpu.memory_space<hbm>> -> memref<8x4096xf32, #tpu.memory_space<hbm>>
    tpu.wait_dma2 semaphore(%dma_wait3A_54 : memref<!tpu.dma_semaphore, #tpu.memory_space<semaphore_mem>>) src(%dma_wait3A_60 : memref<8x4096xf32, #tpu.memory_space<hbm>>) dst(%dma_wait3A_58 : memref<8x4096xf32, #tpu.memory_space<vmem>>)
    %add3A_61 = arith.constant 0 : i32
    %add3A_62 = arith.addi %mul3A_2, %add3A_61 : i32
    %dma_start3A_63 = arith.constant 0 : i32
    %dma_start3A_64 = arith.constant 0 : i32
    %dma_start3A_65 = arith.constant 0 : i32
    %dma_start3A_66 = arith.constant 0 : i32
    %dma_start3A_67 = tpu.memref_slice %arg4[%dma_start3A_63, %dma_start3A_65, %dma_start3A_66] : memref<2x8x4096xf32, #tpu.memory_space<vmem>> -> memref<1x8x4096xf32, #tpu.memory_space<vmem>>
    %dma_start3A_68 = tpu.memref_squeeze %dma_start3A_67 : memref<1x8x4096xf32, #tpu.memory_space<vmem>> -> memref<8x4096xf32, #tpu.memory_space<vmem>>
    %dma_start3A_69 = arith.constant 0 : i32
    %dma_start3A_70 = tpu.memref_slice %arg3[%add3A_62, %dma_start3A_69] : memref<3584x4096xf32, #tpu.memory_space<hbm>> -> memref<8x4096xf32, #tpu.memory_space<hbm>>
    %dma_start3A_71 = tpu.memref_slice %arg6[%dma_start3A_64] : memref<2x!tpu.dma_semaphore, #tpu.memory_space<semaphore_mem>> -> memref<1x!tpu.dma_semaphore, #tpu.memory_space<semaphore_mem>>
    %dma_start3A_72 = tpu.memref_squeeze %dma_start3A_71 : memref<1x!tpu.dma_semaphore, #tpu.memory_space<semaphore_mem>> -> memref<!tpu.dma_semaphore, #tpu.memory_space<semaphore_mem>>
    %dma_start3A_73 = arith.constant 0 : i32
    %dma_start3A_74 = tpu.memref_slice %arg3[%add3A_62, %dma_start3A_73] : memref<3584x4096xf32, #tpu.memory_space<hbm>> -> memref<8x4096xf32, #tpu.memory_space<hbm>>
    %dma_start3A_75 = arith.constant 0 : i32
    %dma_start3A_76 = arith.constant 0 : i32
    %dma_start3A_77 = tpu.memref_slice %arg4[%dma_start3A_63, %dma_start3A_75, %dma_start3A_76] : memref<2x8x4096xf32, #tpu.memory_space<vmem>> -> memref<1x8x4096xf32, #tpu.memory_space<vmem>>
    %dma_start3A_78 = tpu.memref_squeeze %dma_start3A_77 : memref<1x8x4096xf32, #tpu.memory_space<vmem>> -> memref<8x4096xf32, #tpu.memory_space<vmem>>
    tpu.enqueue_dma source(%dma_start3A_78 : memref<8x4096xf32, #tpu.memory_space<vmem>>) target(%dma_start3A_74 : memref<8x4096xf32, #tpu.memory_space<hbm>>) target_semaphore(%dma_start3A_72 : memref<!tpu.dma_semaphore, #tpu.memory_space<semaphore_mem>>)
    %add3A_79 = arith.constant 0 : i32
    %add3A_80 = arith.addi %mul3A_2, %add3A_79 : i32
    %dma_wait3A_81 = arith.constant 0 : i32
    %dma_wait3A_82 = arith.constant 0 : i32
    %dma_wait3A_83 = arith.constant 0 : i32
    %dma_wait3A_84 = arith.constant 0 : i32
    %dma_wait3A_85 = tpu.memref_slice %arg4[%dma_wait3A_81, %dma_wait3A_83, %dma_wait3A_84] : memref<2x8x4096xf32, #tpu.memory_space<vmem>> -> memref<1x8x4096xf32, #tpu.memory_space<vmem>>
    %dma_wait3A_86 = tpu.memref_squeeze %dma_wait3A_85 : memref<1x8x4096xf32, #tpu.memory_space<vmem>> -> memref<8x4096xf32, #tpu.memory_space<vmem>>
    %dma_wait3A_87 = arith.constant 0 : i32
    %dma_wait3A_88 = tpu.memref_slice %arg3[%add3A_80, %dma_wait3A_87] : memref<3584x4096xf32, #tpu.memory_space<hbm>> -> memref<8x4096xf32, #tpu.memory_space<hbm>>
    %dma_wait3A_89 = tpu.memref_slice %arg6[%dma_wait3A_82] : memref<2x!tpu.dma_semaphore, #tpu.memory_space<semaphore_mem>> -> memref<1x!tpu.dma_semaphore, #tpu.memory_space<semaphore_mem>>
    %dma_wait3A_90 = tpu.memref_squeeze %dma_wait3A_89 : memref<1x!tpu.dma_semaphore, #tpu.memory_space<semaphore_mem>> -> memref<!tpu.dma_semaphore, #tpu.memory_space<semaphore_mem>>
    %dma_wait3A_91 = arith.constant 0 : i32
    %dma_wait3A_92 = tpu.memref_slice %arg3[%add3A_80, %dma_wait3A_91] : memref<3584x4096xf32, #tpu.memory_space<hbm>> -> memref<8x4096xf32, #tpu.memory_space<hbm>>
    %dma_wait3A_93 = arith.constant 0 : i32
    %dma_wait3A_94 = arith.constant 0 : i32
    %dma_wait3A_95 = tpu.memref_slice %arg4[%dma_wait3A_81, %dma_wait3A_93, %dma_wait3A_94] : memref<2x8x4096xf32, #tpu.memory_space<vmem>> -> memref<1x8x4096xf32, #tpu.memory_space<vmem>>
    %dma_wait3A_96 = tpu.memref_squeeze %dma_wait3A_95 : memref<1x8x4096xf32, #tpu.memory_space<vmem>> -> memref<8x4096xf32, #tpu.memory_space<vmem>>
    tpu.wait_dma2 semaphore(%dma_wait3A_90 : memref<!tpu.dma_semaphore, #tpu.memory_space<semaphore_mem>>) src(%dma_wait3A_96 : memref<8x4096xf32, #tpu.memory_space<vmem>>) dst(%dma_wait3A_92 : memref<8x4096xf32, #tpu.memory_space<hbm>>)
    %add3A_97 = arith.constant 4608 : i32
    %add3A_98 = arith.addi %add3A_97, %mul3A_2 : i32
    %add3A_99 = arith.constant 16 : i32
    %add3A_100 = arith.addi %add3A_98, %add3A_99 : i32
    %dma_start3A_101 = arith.constant 0 : i32
    %dma_start3A_102 = arith.constant 0 : i32
    %dma_start3A_103 = arith.constant 0 : i32
    %dma_start3A_104 = arith.constant 0 : i32
    %dma_start3A_105 = tpu.memref_slice %arg4[%dma_start3A_101, %dma_start3A_103, %dma_start3A_104] : memref<2x8x4096xf32, #tpu.memory_space<vmem>> -> memref<1x8x4096xf32, #tpu.memory_space<vmem>>
    %dma_start3A_106 = tpu.memref_squeeze %dma_start3A_105 : memref<1x8x4096xf32, #tpu.memory_space<vmem>> -> memref<8x4096xf32, #tpu.memory_space<vmem>>
    %dma_start3A_107 = arith.constant 0 : i32
    %dma_start3A_108 = tpu.memref_slice %arg2[%add3A_100, %dma_start3A_107] : memref<8192x4096xf32, #tpu.memory_space<hbm>> -> memref<8x4096xf32, #tpu.memory_space<hbm>>
    %dma_start3A_109 = tpu.memref_slice %arg5[%dma_start3A_102] : memref<2x!tpu.dma_semaphore, #tpu.memory_space<semaphore_mem>> -> memref<1x!tpu.dma_semaphore, #tpu.memory_space<semaphore_mem>>
    %dma_start3A_110 = tpu.memref_squeeze %dma_start3A_109 : memref<1x!tpu.dma_semaphore, #tpu.memory_space<semaphore_mem>> -> memref<!tpu.dma_semaphore, #tpu.memory_space<semaphore_mem>>
    %dma_start3A_111 = arith.constant 0 : i32
    %dma_start3A_112 = arith.constant 0 : i32
    %dma_start3A_113 = tpu.memref_slice %arg4[%dma_start3A_101, %dma_start3A_111, %dma_start3A_112] : memref<2x8x4096xf32, #tpu.memory_space<vmem>> -> memref<1x8x4096xf32, #tpu.memory_space<vmem>>
    %dma_start3A_114 = tpu.memref_squeeze %dma_start3A_113 : memref<1x8x4096xf32, #tpu.memory_space<vmem>> -> memref<8x4096xf32, #tpu.memory_space<vmem>>
    %dma_start3A_115 = arith.constant 0 : i32
    %dma_start3A_116 = tpu.memref_slice %arg2[%add3A_100, %dma_start3A_115] : memref<8192x4096xf32, #tpu.memory_space<hbm>> -> memref<8x4096xf32, #tpu.memory_space<hbm>>
    tpu.enqueue_dma source(%dma_start3A_116 : memref<8x4096xf32, #tpu.memory_space<hbm>>) target(%dma_start3A_114 : memref<8x4096xf32, #tpu.memory_space<vmem>>) target_semaphore(%dma_start3A_110 : memref<!tpu.dma_semaphore, #tpu.memory_space<semaphore_mem>>)
    %add3A_117 = arith.constant 4608 : i32
    %add3A_118 = arith.addi %add3A_117, %mul3A_2 : i32
    %add3A_119 = arith.constant 8 : i32
    %add3A_120 = arith.addi %add3A_118, %add3A_119 : i32
    %dma_wait3A_121 = arith.constant 1 : i32
    %dma_wait3A_122 = arith.constant 1 : i32
    %dma_wait3A_123 = arith.constant 0 : i32
    %dma_wait3A_124 = arith.constant 0 : i32
    %dma_wait3A_125 = tpu.memref_slice %arg4[%dma_wait3A_121, %dma_wait3A_123, %dma_wait3A_124] : memref<2x8x4096xf32, #tpu.memory_space<vmem>> -> memref<1x8x4096xf32, #tpu.memory_space<vmem>>
    %dma_wait3A_126 = tpu.memref_squeeze %dma_wait3A_125 : memref<1x8x4096xf32, #tpu.memory_space<vmem>> -> memref<8x4096xf32, #tpu.memory_space<vmem>>
    %dma_wait3A_127 = arith.constant 0 : i32
    %dma_wait3A_128 = tpu.memref_slice %arg2[%add3A_120, %dma_wait3A_127] : memref<8192x4096xf32, #tpu.memory_space<hbm>> -> memref<8x4096xf32, #tpu.memory_space<hbm>>
    %dma_wait3A_129 = tpu.memref_slice %arg5[%dma_wait3A_122] : memref<2x!tpu.dma_semaphore, #tpu.memory_space<semaphore_mem>> -> memref<1x!tpu.dma_semaphore, #tpu.memory_space<semaphore_mem>>
    %dma_wait3A_130 = tpu.memref_squeeze %dma_wait3A_129 : memref<1x!tpu.dma_semaphore, #tpu.memory_space<semaphore_mem>> -> memref<!tpu.dma_semaphore, #tpu.memory_space<semaphore_mem>>
    %dma_wait3A_131 = arith.constant 0 : i32
    %dma_wait3A_132 = arith.constant 0 : i32
    %dma_wait3A_133 = tpu.memref_slice %arg4[%dma_wait3A_121, %dma_wait3A_131, %dma_wait3A_132] : memref<2x8x4096xf32, #tpu.memory_space<vmem>> -> memref<1x8x4096xf32, #tpu.memory_space<vmem>>
    %dma_wait3A_134 = tpu.memref_squeeze %dma_wait3A_133 : memref<1x8x4096xf32, #tpu.memory_space<vmem>> -> memref<8x4096xf32, #tpu.memory_space<vmem>>
    %dma_wait3A_135 = arith.constant 0 : i32
    %dma_wait3A_136 = tpu.memref_slice %arg2[%add3A_120, %dma_wait3A_135] : memref<8192x4096xf32, #tpu.memory_space<hbm>> -> memref<8x4096xf32, #tpu.memory_space<hbm>>
    tpu.wait_dma2 semaphore(%dma_wait3A_130 : memref<!tpu.dma_semaphore, #tpu.memory_space<semaphore_mem>>) src(%dma_wait3A_136 : memref<8x4096xf32, #tpu.memory_space<hbm>>) dst(%dma_wait3A_134 : memref<8x4096xf32, #tpu.memory_space<vmem>>)
    %add3A_137 = arith.constant 8 : i32
    %add3A_138 = arith.addi %mul3A_2, %add3A_137 : i32
    %dma_start3A_139 = arith.constant 1 : i32
    %dma_start3A_140 = arith.constant 1 : i32
    %dma_start3A_141 = arith.constant 0 : i32
    %dma_start3A_142 = arith.constant 0 : i32
    %dma_start3A_143 = tpu.memref_slice %arg4[%dma_start3A_139, %dma_start3A_141, %dma_start3A_142] : memref<2x8x4096xf32, #tpu.memory_space<vmem>> -> memref<1x8x4096xf32, #tpu.memory_space<vmem>>
    %dma_start3A_144 = tpu.memref_squeeze %dma_start3A_143 : memref<1x8x4096xf32, #tpu.memory_space<vmem>> -> memref<8x4096xf32, #tpu.memory_space<vmem>>
    %dma_start3A_145 = arith.constant 0 : i32
    %dma_start3A_146 = tpu.memref_slice %arg3[%add3A_138, %dma_start3A_145] : memref<3584x4096xf32, #tpu.memory_space<hbm>> -> memref<8x4096xf32, #tpu.memory_space<hbm>>
    %dma_start3A_147 = tpu.memref_slice %arg6[%dma_start3A_140] : memref<2x!tpu.dma_semaphore, #tpu.memory_space<semaphore_mem>> -> memref<1x!tpu.dma_semaphore, #tpu.memory_space<semaphore_mem>>
    %dma_start3A_148 = tpu.memref_squeeze %dma_start3A_147 : memref<1x!tpu.dma_semaphore, #tpu.memory_space<semaphore_mem>> -> memref<!tpu.dma_semaphore, #tpu.memory_space<semaphore_mem>>
    %dma_start3A_149 = arith.constant 0 : i32
    %dma_start3A_150 = tpu.memref_slice %arg3[%add3A_138, %dma_start3A_149] : memref<3584x4096xf32, #tpu.memory_space<hbm>> -> memref<8x4096xf32, #tpu.memory_space<hbm>>
    %dma_start3A_151 = arith.constant 0 : i32
    %dma_start3A_152 = arith.constant 0 : i32
    %dma_start3A_153 = tpu.memref_slice %arg4[%dma_start3A_139, %dma_start3A_151, %dma_start3A_152] : memref<2x8x4096xf32, #tpu.memory_space<vmem>> -> memref<1x8x4096xf32, #tpu.memory_space<vmem>>
    %dma_start3A_154 = tpu.memref_squeeze %dma_start3A_153 : memref<1x8x4096xf32, #tpu.memory_space<vmem>> -> memref<8x4096xf32, #tpu.memory_space<vmem>>
    tpu.enqueue_dma source(%dma_start3A_154 : memref<8x4096xf32, #tpu.memory_space<vmem>>) target(%dma_start3A_150 : memref<8x4096xf32, #tpu.memory_space<hbm>>) target_semaphore(%dma_start3A_148 : memref<!tpu.dma_semaphore, #tpu.memory_space<semaphore_mem>>)
    %add3A_155 = arith.constant 8 : i32
    %add3A_156 = arith.addi %mul3A_2, %add3A_155 : i32
    %dma_wait3A_157 = arith.constant 1 : i32
    %dma_wait3A_158 = arith.constant 1 : i32
    %dma_wait3A_159 = arith.constant 0 : i32
    %dma_wait3A_160 = arith.constant 0 : i32
    %dma_wait3A_161 = tpu.memref_slice %arg4[%dma_wait3A_157, %dma_wait3A_159, %dma_wait3A_160] : memref<2x8x4096xf32, #tpu.memory_space<vmem>> -> memref<1x8x4096xf32, #tpu.memory_space<vmem>>
    %dma_wait3A_162 = tpu.memref_squeeze %dma_wait3A_161 : memref<1x8x4096xf32, #tpu.memory_space<vmem>> -> memref<8x4096xf32, #tpu.memory_space<vmem>>
    %dma_wait3A_163 = arith.constant 0 : i32
    %dma_wait3A_164 = tpu.memref_slice %arg3[%add3A_156, %dma_wait3A_163] : memref<3584x4096xf32, #tpu.memory_space<hbm>> -> memref<8x4096xf32, #tpu.memory_space<hbm>>
    %dma_wait3A_165 = tpu.memref_slice %arg6[%dma_wait3A_158] : memref<2x!tpu.dma_semaphore, #tpu.memory_space<semaphore_mem>> -> memref<1x!tpu.dma_semaphore, #tpu.memory_space<semaphore_mem>>
    %dma_wait3A_166 = tpu.memref_squeeze %dma_wait3A_165 : memref<1x!tpu.dma_semaphore, #tpu.memory_space<semaphore_mem>> -> memref<!tpu.dma_semaphore, #tpu.memory_space<semaphore_mem>>
    %dma_wait3A_167 = arith.constant 0 : i32
    %dma_wait3A_168 = tpu.memref_slice %arg3[%add3A_156, %dma_wait3A_167] : memref<3584x4096xf32, #tpu.memory_space<hbm>> -> memref<8x4096xf32, #tpu.memory_space<hbm>>
    %dma_wait3A_169 = arith.constant 0 : i32
    %dma_wait3A_170 = arith.constant 0 : i32
    %dma_wait3A_171 = tpu.memref_slice %arg4[%dma_wait3A_157, %dma_wait3A_169, %dma_wait3A_170] : memref<2x8x4096xf32, #tpu.memory_space<vmem>> -> memref<1x8x4096xf32, #tpu.memory_space<vmem>>
    %dma_wait3A_172 = tpu.memref_squeeze %dma_wait3A_171 : memref<1x8x4096xf32, #tpu.memory_space<vmem>> -> memref<8x4096xf32, #tpu.memory_space<vmem>>
    tpu.wait_dma2 semaphore(%dma_wait3A_166 : memref<!tpu.dma_semaphore, #tpu.memory_space<semaphore_mem>>) src(%dma_wait3A_172 : memref<8x4096xf32, #tpu.memory_space<vmem>>) dst(%dma_wait3A_168 : memref<8x4096xf32, #tpu.memory_space<hbm>>)
    %add3A_173 = arith.constant 4608 : i32
    %add3A_174 = arith.addi %add3A_173, %mul3A_2 : i32
    %add3A_175 = arith.constant 24 : i32
    %add3A_176 = arith.addi %add3A_174, %add3A_175 : i32
    %dma_start3A_177 = arith.constant 1 : i32
    %dma_start3A_178 = arith.constant 1 : i32
    %dma_start3A_179 = arith.constant 0 : i32
    %dma_start3A_180 = arith.constant 0 : i32
    %dma_start3A_181 = tpu.memref_slice %arg4[%dma_start3A_177, %dma_start3A_179, %dma_start3A_180] : memref<2x8x4096xf32, #tpu.memory_space<vmem>> -> memref<1x8x4096xf32, #tpu.memory_space<vmem>>
    %dma_start3A_182 = tpu.memref_squeeze %dma_start3A_181 : memref<1x8x4096xf32, #tpu.memory_space<vmem>> -> memref<8x4096xf32, #tpu.memory_space<vmem>>
    %dma_start3A_183 = arith.constant 0 : i32
    %dma_start3A_184 = tpu.memref_slice %arg2[%add3A_176, %dma_start3A_183] : memref<8192x4096xf32, #tpu.memory_space<hbm>> -> memref<8x4096xf32, #tpu.memory_space<hbm>>
    %dma_start3A_185 = tpu.memref_slice %arg5[%dma_start3A_178] : memref<2x!tpu.dma_semaphore, #tpu.memory_space<semaphore_mem>> -> memref<1x!tpu.dma_semaphore, #tpu.memory_space<semaphore_mem>>
    %dma_start3A_186 = tpu.memref_squeeze %dma_start3A_185 : memref<1x!tpu.dma_semaphore, #tpu.memory_space<semaphore_mem>> -> memref<!tpu.dma_semaphore, #tpu.memory_space<semaphore_mem>>
    %dma_start3A_187 = arith.constant 0 : i32
    %dma_start3A_188 = arith.constant 0 : i32
    %dma_start3A_189 = tpu.memref_slice %arg4[%dma_start3A_177, %dma_start3A_187, %dma_start3A_188] : memref<2x8x4096xf32, #tpu.memory_space<vmem>> -> memref<1x8x4096xf32, #tpu.memory_space<vmem>>
    %dma_start3A_190 = tpu.memref_squeeze %dma_start3A_189 : memref<1x8x4096xf32, #tpu.memory_space<vmem>> -> memref<8x4096xf32, #tpu.memory_space<vmem>>
    %dma_start3A_191 = arith.constant 0 : i32
    %dma_start3A_192 = tpu.memref_slice %arg2[%add3A_176, %dma_start3A_191] : memref<8192x4096xf32, #tpu.memory_space<hbm>> -> memref<8x4096xf32, #tpu.memory_space<hbm>>
    tpu.enqueue_dma source(%dma_start3A_192 : memref<8x4096xf32, #tpu.memory_space<hbm>>) target(%dma_start3A_190 : memref<8x4096xf32, #tpu.memory_space<vmem>>) target_semaphore(%dma_start3A_186 : memref<!tpu.dma_semaphore, #tpu.memory_space<semaphore_mem>>)
    %add3A_193 = arith.constant 4608 : i32
    %add3A_194 = arith.addi %add3A_193, %mul3A_2 : i32
    %add3A_195 = arith.constant 16 : i32
    %add3A_196 = arith.addi %add3A_194, %add3A_195 : i32
    %dma_wait3A_197 = arith.constant 0 : i32
    %dma_wait3A_198 = arith.constant 0 : i32
    %dma_wait3A_199 = arith.constant 0 : i32
    %dma_wait3A_200 = arith.constant 0 : i32
    %dma_wait3A_201 = tpu.memref_slice %arg4[%dma_wait3A_197, %dma_wait3A_199, %dma_wait3A_200] : memref<2x8x4096xf32, #tpu.memory_space<vmem>> -> memref<1x8x4096xf32, #tpu.memory_space<vmem>>
    %dma_wait3A_202 = tpu.memref_squeeze %dma_wait3A_201 : memref<1x8x4096xf32, #tpu.memory_space<vmem>> -> memref<8x4096xf32, #tpu.memory_space<vmem>>
    %dma_wait3A_203 = arith.constant 0 : i32
    %dma_wait3A_204 = tpu.memref_slice %arg2[%add3A_196, %dma_wait3A_203] : memref<8192x4096xf32, #tpu.memory_space<hbm>> -> memref<8x4096xf32, #tpu.memory_space<hbm>>
    %dma_wait3A_205 = tpu.memref_slice %arg5[%dma_wait3A_198] : memref<2x!tpu.dma_semaphore, #tpu.memory_space<semaphore_mem>> -> memref<1x!tpu.dma_semaphore, #tpu.memory_space<semaphore_mem>>
    %dma_wait3A_206 = tpu.memref_squeeze %dma_wait3A_205 : memref<1x!tpu.dma_semaphore, #tpu.memory_space<semaphore_mem>> -> memref<!tpu.dma_semaphore, #tpu.memory_space<semaphore_mem>>
    %dma_wait3A_207 = arith.constant 0 : i32
    %dma_wait3A_208 = arith.constant 0 : i32
    %dma_wait3A_209 = tpu.memref_slice %arg4[%dma_wait3A_197, %dma_wait3A_207, %dma_wait3A_208] : memref<2x8x4096xf32, #tpu.memory_space<vmem>> -> memref<1x8x4096xf32, #tpu.memory_space<vmem>>
    %dma_wait3A_210 = tpu.memref_squeeze %dma_wait3A_209 : memref<1x8x4096xf32, #tpu.memory_space<vmem>> -> memref<8x4096xf32, #tpu.memory_space<vmem>>
    %dma_wait3A_211 = arith.constant 0 : i32
    %dma_wait3A_212 = tpu.memref_slice %arg2[%add3A_196, %dma_wait3A_211] : memref<8192x4096xf32, #tpu.memory_space<hbm>> -> memref<8x4096xf32, #tpu.memory_space<hbm>>
    tpu.wait_dma2 semaphore(%dma_wait3A_206 : memref<!tpu.dma_semaphore, #tpu.memory_space<semaphore_mem>>) src(%dma_wait3A_212 : memref<8x4096xf32, #tpu.memory_space<hbm>>) dst(%dma_wait3A_210 : memref<8x4096xf32, #tpu.memory_space<vmem>>)
    %add3A_213 = arith.constant 16 : i32
    %add3A_214 = arith.addi %mul3A_2, %add3A_213 : i32
    %dma_start3A_215 = arith.constant 0 : i32
    %dma_start3A_216 = arith.constant 0 : i32
    %dma_start3A_217 = arith.constant 0 : i32
    %dma_start3A_218 = arith.constant 0 : i32
    %dma_start3A_219 = tpu.memref_slice %arg4[%dma_start3A_215, %dma_start3A_217, %dma_start3A_218] : memref<2x8x4096xf32, #tpu.memory_space<vmem>> -> memref<1x8x4096xf32, #tpu.memory_space<vmem>>
    %dma_start3A_220 = tpu.memref_squeeze %dma_start3A_219 : memref<1x8x4096xf32, #tpu.memory_space<vmem>> -> memref<8x4096xf32, #tpu.memory_space<vmem>>
    %dma_start3A_221 = arith.constant 0 : i32
    %dma_start3A_222 = tpu.memref_slice %arg3[%add3A_214, %dma_start3A_221] : memref<3584x4096xf32, #tpu.memory_space<hbm>> -> memref<8x4096xf32, #tpu.memory_space<hbm>>
    %dma_start3A_223 = tpu.memref_slice %arg6[%dma_start3A_216] : memref<2x!tpu.dma_semaphore, #tpu.memory_space<semaphore_mem>> -> memref<1x!tpu.dma_semaphore, #tpu.memory_space<semaphore_mem>>
    %dma_start3A_224 = tpu.memref_squeeze %dma_start3A_223 : memref<1x!tpu.dma_semaphore, #tpu.memory_space<semaphore_mem>> -> memref<!tpu.dma_semaphore, #tpu.memory_space<semaphore_mem>>
    %dma_start3A_225 = arith.constant 0 : i32
    %dma_start3A_226 = tpu.memref_slice %arg3[%add3A_214, %dma_start3A_225] : memref<3584x4096xf32, #tpu.memory_space<hbm>> -> memref<8x4096xf32, #tpu.memory_space<hbm>>
    %dma_start3A_227 = arith.constant 0 : i32
    %dma_start3A_228 = arith.constant 0 : i32
    %dma_start3A_229 = tpu.memref_slice %arg4[%dma_start3A_215, %dma_start3A_227, %dma_start3A_228] : memref<2x8x4096xf32, #tpu.memory_space<vmem>> -> memref<1x8x4096xf32, #tpu.memory_space<vmem>>
    %dma_start3A_230 = tpu.memref_squeeze %dma_start3A_229 : memref<1x8x4096xf32, #tpu.memory_space<vmem>> -> memref<8x4096xf32, #tpu.memory_space<vmem>>
    tpu.enqueue_dma source(%dma_start3A_230 : memref<8x4096xf32, #tpu.memory_space<vmem>>) target(%dma_start3A_226 : memref<8x4096xf32, #tpu.memory_space<hbm>>) target_semaphore(%dma_start3A_224 : memref<!tpu.dma_semaphore, #tpu.memory_space<semaphore_mem>>)
    %add3A_231 = arith.constant 16 : i32
    %add3A_232 = arith.addi %mul3A_2, %add3A_231 : i32
    %dma_wait3A_233 = arith.constant 0 : i32
    %dma_wait3A_234 = arith.constant 0 : i32
    %dma_wait3A_235 = arith.constant 0 : i32
    %dma_wait3A_236 = arith.constant 0 : i32
    %dma_wait3A_237 = tpu.memref_slice %arg4[%dma_wait3A_233, %dma_wait3A_235, %dma_wait3A_236] : memref<2x8x4096xf32, #tpu.memory_space<vmem>> -> memref<1x8x4096xf32, #tpu.memory_space<vmem>>
    %dma_wait3A_238 = tpu.memref_squeeze %dma_wait3A_237 : memref<1x8x4096xf32, #tpu.memory_space<vmem>> -> memref<8x4096xf32, #tpu.memory_space<vmem>>
    %dma_wait3A_239 = arith.constant 0 : i32
    %dma_wait3A_240 = tpu.memref_slice %arg3[%add3A_232, %dma_wait3A_239] : memref<3584x4096xf32, #tpu.memory_space<hbm>> -> memref<8x4096xf32, #tpu.memory_space<hbm>>
    %dma_wait3A_241 = tpu.memref_slice %arg6[%dma_wait3A_234] : memref<2x!tpu.dma_semaphore, #tpu.memory_space<semaphore_mem>> -> memref<1x!tpu.dma_semaphore, #tpu.memory_space<semaphore_mem>>
    %dma_wait3A_242 = tpu.memref_squeeze %dma_wait3A_241 : memref<1x!tpu.dma_semaphore, #tpu.memory_space<semaphore_mem>> -> memref<!tpu.dma_semaphore, #tpu.memory_space<semaphore_mem>>
    %dma_wait3A_243 = arith.constant 0 : i32
    %dma_wait3A_244 = tpu.memref_slice %arg3[%add3A_232, %dma_wait3A_243] : memref<3584x4096xf32, #tpu.memory_space<hbm>> -> memref<8x4096xf32, #tpu.memory_space<hbm>>
    %dma_wait3A_245 = arith.constant 0 : i32
    %dma_wait3A_246 = arith.constant 0 : i32
    %dma_wait3A_247 = tpu.memref_slice %arg4[%dma_wait3A_233, %dma_wait3A_245, %dma_wait3A_246] : memref<2x8x4096xf32, #tpu.memory_space<vmem>> -> memref<1x8x4096xf32, #tpu.memory_space<vmem>>
    %dma_wait3A_248 = tpu.memref_squeeze %dma_wait3A_247 : memref<1x8x4096xf32, #tpu.memory_space<vmem>> -> memref<8x4096xf32, #tpu.memory_space<vmem>>
    tpu.wait_dma2 semaphore(%dma_wait3A_242 : memref<!tpu.dma_semaphore, #tpu.memory_space<semaphore_mem>>) src(%dma_wait3A_248 : memref<8x4096xf32, #tpu.memory_space<vmem>>) dst(%dma_wait3A_244 : memref<8x4096xf32, #tpu.memory_space<hbm>>)
    %add3A_249 = arith.constant 4608 : i32
    %add3A_250 = arith.addi %add3A_249, %mul3A_2 : i32
    %add3A_251 = arith.constant 32 : i32
    %add3A_252 = arith.addi %add3A_250, %add3A_251 : i32
    %dma_start3A_253 = arith.constant 0 : i32
    %dma_start3A_254 = arith.constant 0 : i32
    %dma_start3A_255 = arith.constant 0 : i32
    %dma_start3A_256 = arith.constant 0 : i32
    %dma_start3A_257 = tpu.memref_slice %arg4[%dma_start3A_253, %dma_start3A_255, %dma_start3A_256] : memref<2x8x4096xf32, #tpu.memory_space<vmem>> -> memref<1x8x4096xf32, #tpu.memory_space<vmem>>
    %dma_start3A_258 = tpu.memref_squeeze %dma_start3A_257 : memref<1x8x4096xf32, #tpu.memory_space<vmem>> -> memref<8x4096xf32, #tpu.memory_space<vmem>>
    %dma_start3A_259 = arith.constant 0 : i32
    %dma_start3A_260 = tpu.memref_slice %arg2[%add3A_252, %dma_start3A_259] : memref<8192x4096xf32, #tpu.memory_space<hbm>> -> memref<8x4096xf32, #tpu.memory_space<hbm>>
    %dma_start3A_261 = tpu.memref_slice %arg5[%dma_start3A_254] : memref<2x!tpu.dma_semaphore, #tpu.memory_space<semaphore_mem>> -> memref<1x!tpu.dma_semaphore, #tpu.memory_space<semaphore_mem>>
    %dma_start3A_262 = tpu.memref_squeeze %dma_start3A_261 : memref<1x!tpu.dma_semaphore, #tpu.memory_space<semaphore_mem>> -> memref<!tpu.dma_semaphore, #tpu.memory_space<semaphore_mem>>
    %dma_start3A_263 = arith.constant 0 : i32
    %dma_start3A_264 = arith.constant 0 : i32
    %dma_start3A_265 = tpu.memref_slice %arg4[%dma_start3A_253, %dma_start3A_263, %dma_start3A_264] : memref<2x8x4096xf32, #tpu.memory_space<vmem>> -> memref<1x8x4096xf32, #tpu.memory_space<vmem>>
    %dma_start3A_266 = tpu.memref_squeeze %dma_start3A_265 : memref<1x8x4096xf32, #tpu.memory_space<vmem>> -> memref<8x4096xf32, #tpu.memory_space<vmem>>
    %dma_start3A_267 = arith.constant 0 : i32
    %dma_start3A_268 = tpu.memref_slice %arg2[%add3A_252, %dma_start3A_267] : memref<8192x4096xf32, #tpu.memory_space<hbm>> -> memref<8x4096xf32, #tpu.memory_space<hbm>>
    tpu.enqueue_dma source(%dma_start3A_268 : memref<8x4096xf32, #tpu.memory_space<hbm>>) target(%dma_start3A_266 : memref<8x4096xf32, #tpu.memory_space<vmem>>) target_semaphore(%dma_start3A_262 : memref<!tpu.dma_semaphore, #tpu.memory_space<semaphore_mem>>)
    %add3A_269 = arith.constant 4608 : i32
    %add3A_270 = arith.addi %add3A_269, %mul3A_2 : i32
    %add3A_271 = arith.constant 24 : i32
    %add3A_272 = arith.addi %add3A_270, %add3A_271 : i32
    %dma_wait3A_273 = arith.constant 1 : i32
    %dma_wait3A_274 = arith.constant 1 : i32
    %dma_wait3A_275 = arith.constant 0 : i32
    %dma_wait3A_276 = arith.constant 0 : i32
    %dma_wait3A_277 = tpu.memref_slice %arg4[%dma_wait3A_273, %dma_wait3A_275, %dma_wait3A_276] : memref<2x8x4096xf32, #tpu.memory_space<vmem>> -> memref<1x8x4096xf32, #tpu.memory_space<vmem>>
    %dma_wait3A_278 = tpu.memref_squeeze %dma_wait3A_277 : memref<1x8x4096xf32, #tpu.memory_space<vmem>> -> memref<8x4096xf32, #tpu.memory_space<vmem>>
    %dma_wait3A_279 = arith.constant 0 : i32
    %dma_wait3A_280 = tpu.memref_slice %arg2[%add3A_272, %dma_wait3A_279] : memref<8192x4096xf32, #tpu.memory_space<hbm>> -> memref<8x4096xf32, #tpu.memory_space<hbm>>
    %dma_wait3A_281 = tpu.memref_slice %arg5[%dma_wait3A_274] : memref<2x!tpu.dma_semaphore, #tpu.memory_space<semaphore_mem>> -> memref<1x!tpu.dma_semaphore, #tpu.memory_space<semaphore_mem>>
    %dma_wait3A_282 = tpu.memref_squeeze %dma_wait3A_281 : memref<1x!tpu.dma_semaphore, #tpu.memory_space<semaphore_mem>> -> memref<!tpu.dma_semaphore, #tpu.memory_space<semaphore_mem>>
    %dma_wait3A_283 = arith.constant 0 : i32
    %dma_wait3A_284 = arith.constant 0 : i32
    %dma_wait3A_285 = tpu.memref_slice %arg4[%dma_wait3A_273, %dma_wait3A_283, %dma_wait3A_284] : memref<2x8x4096xf32, #tpu.memory_space<vmem>> -> memref<1x8x4096xf32, #tpu.memory_space<vmem>>
    %dma_wait3A_286 = tpu.memref_squeeze %dma_wait3A_285 : memref<1x8x4096xf32, #tpu.memory_space<vmem>> -> memref<8x4096xf32, #tpu.memory_space<vmem>>
    %dma_wait3A_287 = arith.constant 0 : i32
    %dma_wait3A_288 = tpu.memref_slice %arg2[%add3A_272, %dma_wait3A_287] : memref<8192x4096xf32, #tpu.memory_space<hbm>> -> memref<8x4096xf32, #tpu.memory_space<hbm>>
    tpu.wait_dma2 semaphore(%dma_wait3A_282 : memref<!tpu.dma_semaphore, #tpu.memory_space<semaphore_mem>>) src(%dma_wait3A_288 : memref<8x4096xf32, #tpu.memory_space<hbm>>) dst(%dma_wait3A_286 : memref<8x4096xf32, #tpu.memory_space<vmem>>)
    %add3A_289 = arith.constant 24 : i32
    %add3A_290 = arith.addi %mul3A_2, %add3A_289 : i32
    %dma_start3A_291 = arith.constant 1 : i32
    %dma_start3A_292 = arith.constant 1 : i32
    %dma_start3A_293 = arith.constant 0 : i32
    %dma_start3A_294 = arith.constant 0 : i32
    %dma_start3A_295 = tpu.memref_slice %arg4[%dma_start3A_291, %dma_start3A_293, %dma_start3A_294] : memref<2x8x4096xf32, #tpu.memory_space<vmem>> -> memref<1x8x4096xf32, #tpu.memory_space<vmem>>
    %dma_start3A_296 = tpu.memref_squeeze %dma_start3A_295 : memref<1x8x4096xf32, #tpu.memory_space<vmem>> -> memref<8x4096xf32, #tpu.memory_space<vmem>>
    %dma_start3A_297 = arith.constant 0 : i32
    %dma_start3A_298 = tpu.memref_slice %arg3[%add3A_290, %dma_start3A_297] : memref<3584x4096xf32, #tpu.memory_space<hbm>> -> memref<8x4096xf32, #tpu.memory_space<hbm>>
    %dma_start3A_299 = tpu.memref_slice %arg6[%dma_start3A_292] : memref<2x!tpu.dma_semaphore, #tpu.memory_space<semaphore_mem>> -> memref<1x!tpu.dma_semaphore, #tpu.memory_space<semaphore_mem>>
    %dma_start3A_300 = tpu.memref_squeeze %dma_start3A_299 : memref<1x!tpu.dma_semaphore, #tpu.memory_space<semaphore_mem>> -> memref<!tpu.dma_semaphore, #tpu.memory_space<semaphore_mem>>
    %dma_start3A_301 = arith.constant 0 : i32
    %dma_start3A_302 = tpu.memref_slice %arg3[%add3A_290, %dma_start3A_301] : memref<3584x4096xf32, #tpu.memory_space<hbm>> -> memref<8x4096xf32, #tpu.memory_space<hbm>>
    %dma_start3A_303 = arith.constant 0 : i32
    %dma_start3A_304 = arith.constant 0 : i32
    %dma_start3A_305 = tpu.memref_slice %arg4[%dma_start3A_291, %dma_start3A_303, %dma_start3A_304] : memref<2x8x4096xf32, #tpu.memory_space<vmem>> -> memref<1x8x4096xf32, #tpu.memory_space<vmem>>
    %dma_start3A_306 = tpu.memref_squeeze %dma_start3A_305 : memref<1x8x4096xf32, #tpu.memory_space<vmem>> -> memref<8x4096xf32, #tpu.memory_space<vmem>>
    tpu.enqueue_dma source(%dma_start3A_306 : memref<8x4096xf32, #tpu.memory_space<vmem>>) target(%dma_start3A_302 : memref<8x4096xf32, #tpu.memory_space<hbm>>) target_semaphore(%dma_start3A_300 : memref<!tpu.dma_semaphore, #tpu.memory_space<semaphore_mem>>)
    %add3A_307 = arith.constant 24 : i32
    %add3A_308 = arith.addi %mul3A_2, %add3A_307 : i32
    %dma_wait3A_309 = arith.constant 1 : i32
    %dma_wait3A_310 = arith.constant 1 : i32
    %dma_wait3A_311 = arith.constant 0 : i32
    %dma_wait3A_312 = arith.constant 0 : i32
    %dma_wait3A_313 = tpu.memref_slice %arg4[%dma_wait3A_309, %dma_wait3A_311, %dma_wait3A_312] : memref<2x8x4096xf32, #tpu.memory_space<vmem>> -> memref<1x8x4096xf32, #tpu.memory_space<vmem>>
    %dma_wait3A_314 = tpu.memref_squeeze %dma_wait3A_313 : memref<1x8x4096xf32, #tpu.memory_space<vmem>> -> memref<8x4096xf32, #tpu.memory_space<vmem>>
    %dma_wait3A_315 = arith.constant 0 : i32
    %dma_wait3A_316 = tpu.memref_slice %arg3[%add3A_308, %dma_wait3A_315] : memref<3584x4096xf32, #tpu.memory_space<hbm>> -> memref<8x4096xf32, #tpu.memory_space<hbm>>
    %dma_wait3A_317 = tpu.memref_slice %arg6[%dma_wait3A_310] : memref<2x!tpu.dma_semaphore, #tpu.memory_space<semaphore_mem>> -> memref<1x!tpu.dma_semaphore, #tpu.memory_space<semaphore_mem>>
    %dma_wait3A_318 = tpu.memref_squeeze %dma_wait3A_317 : memref<1x!tpu.dma_semaphore, #tpu.memory_space<semaphore_mem>> -> memref<!tpu.dma_semaphore, #tpu.memory_space<semaphore_mem>>
    %dma_wait3A_319 = arith.constant 0 : i32
    %dma_wait3A_320 = tpu.memref_slice %arg3[%add3A_308, %dma_wait3A_319] : memref<3584x4096xf32, #tpu.memory_space<hbm>> -> memref<8x4096xf32, #tpu.memory_space<hbm>>
    %dma_wait3A_321 = arith.constant 0 : i32
    %dma_wait3A_322 = arith.constant 0 : i32
    %dma_wait3A_323 = tpu.memref_slice %arg4[%dma_wait3A_309, %dma_wait3A_321, %dma_wait3A_322] : memref<2x8x4096xf32, #tpu.memory_space<vmem>> -> memref<1x8x4096xf32, #tpu.memory_space<vmem>>
    %dma_wait3A_324 = tpu.memref_squeeze %dma_wait3A_323 : memref<1x8x4096xf32, #tpu.memory_space<vmem>> -> memref<8x4096xf32, #tpu.memory_space<vmem>>
    tpu.wait_dma2 semaphore(%dma_wait3A_318 : memref<!tpu.dma_semaphore, #tpu.memory_space<semaphore_mem>>) src(%dma_wait3A_324 : memref<8x4096xf32, #tpu.memory_space<vmem>>) dst(%dma_wait3A_320 : memref<8x4096xf32, #tpu.memory_space<hbm>>)
    %add3A_325 = arith.constant 4608 : i32
    %add3A_326 = arith.addi %add3A_325, %mul3A_2 : i32
    %add3A_327 = arith.constant 40 : i32
    %add3A_328 = arith.addi %add3A_326, %add3A_327 : i32
    %dma_start3A_329 = arith.constant 1 : i32
    %dma_start3A_330 = arith.constant 1 : i32
    %dma_start3A_331 = arith.constant 0 : i32
    %dma_start3A_332 = arith.constant 0 : i32
    %dma_start3A_333 = tpu.memref_slice %arg4[%dma_start3A_329, %dma_start3A_331, %dma_start3A_332] : memref<2x8x4096xf32, #tpu.memory_space<vmem>> -> memref<1x8x4096xf32, #tpu.memory_space<vmem>>
    %dma_start3A_334 = tpu.memref_squeeze %dma_start3A_333 : memref<1x8x4096xf32, #tpu.memory_space<vmem>> -> memref<8x4096xf32, #tpu.memory_space<vmem>>
    %dma_start3A_335 = arith.constant 0 : i32
    %dma_start3A_336 = tpu.memref_slice %arg2[%add3A_328, %dma_start3A_335] : memref<8192x4096xf32, #tpu.memory_space<hbm>> -> memref<8x4096xf32, #tpu.memory_space<hbm>>
    %dma_start3A_337 = tpu.memref_slice %arg5[%dma_start3A_330] : memref<2x!tpu.dma_semaphore, #tpu.memory_space<semaphore_mem>> -> memref<1x!tpu.dma_semaphore, #tpu.memory_space<semaphore_mem>>
    %dma_start3A_338 = tpu.memref_squeeze %dma_start3A_337 : memref<1x!tpu.dma_semaphore, #tpu.memory_space<semaphore_mem>> -> memref<!tpu.dma_semaphore, #tpu.memory_space<semaphore_mem>>
    %dma_start3A_339 = arith.constant 0 : i32
    %dma_start3A_340 = arith.constant 0 : i32
    %dma_start3A_341 = tpu.memref_slice %arg4[%dma_start3A_329, %dma_start3A_339, %dma_start3A_340] : memref<2x8x4096xf32, #tpu.memory_space<vmem>> -> memref<1x8x4096xf32, #tpu.memory_space<vmem>>
    %dma_start3A_342 = tpu.memref_squeeze %dma_start3A_341 : memref<1x8x4096xf32, #tpu.memory_space<vmem>> -> memref<8x4096xf32, #tpu.memory_space<vmem>>
    %dma_start3A_343 = arith.constant 0 : i32
    %dma_start3A_344 = tpu.memref_slice %arg2[%add3A_328, %dma_start3A_343] : memref<8192x4096xf32, #tpu.memory_space<hbm>> -> memref<8x4096xf32, #tpu.memory_space<hbm>>
    tpu.enqueue_dma source(%dma_start3A_344 : memref<8x4096xf32, #tpu.memory_space<hbm>>) target(%dma_start3A_342 : memref<8x4096xf32, #tpu.memory_space<vmem>>) target_semaphore(%dma_start3A_338 : memref<!tpu.dma_semaphore, #tpu.memory_space<semaphore_mem>>)
    %add3A_345 = arith.constant 4608 : i32
    %add3A_346 = arith.addi %add3A_345, %mul3A_2 : i32
    %add3A_347 = arith.constant 32 : i32
    %add3A_348 = arith.addi %add3A_346, %add3A_347 : i32
    %dma_wait3A_349 = arith.constant 0 : i32
    %dma_wait3A_350 = arith.constant 0 : i32
    %dma_wait3A_351 = arith.constant 0 : i32
    %dma_wait3A_352 = arith.constant 0 : i32
    %dma_wait3A_353 = tpu.memref_slice %arg4[%dma_wait3A_349, %dma_wait3A_351, %dma_wait3A_352] : memref<2x8x4096xf32, #tpu.memory_space<vmem>> -> memref<1x8x4096xf32, #tpu.memory_space<vmem>>
    %dma_wait3A_354 = tpu.memref_squeeze %dma_wait3A_353 : memref<1x8x4096xf32, #tpu.memory_space<vmem>> -> memref<8x4096xf32, #tpu.memory_space<vmem>>
    %dma_wait3A_355 = arith.constant 0 : i32
    %dma_wait3A_356 = tpu.memref_slice %arg2[%add3A_348, %dma_wait3A_355] : memref<8192x4096xf32, #tpu.memory_space<hbm>> -> memref<8x4096xf32, #tpu.memory_space<hbm>>
    %dma_wait3A_357 = tpu.memref_slice %arg5[%dma_wait3A_350] : memref<2x!tpu.dma_semaphore, #tpu.memory_space<semaphore_mem>> -> memref<1x!tpu.dma_semaphore, #tpu.memory_space<semaphore_mem>>
    %dma_wait3A_358 = tpu.memref_squeeze %dma_wait3A_357 : memref<1x!tpu.dma_semaphore, #tpu.memory_space<semaphore_mem>> -> memref<!tpu.dma_semaphore, #tpu.memory_space<semaphore_mem>>
    %dma_wait3A_359 = arith.constant 0 : i32
    %dma_wait3A_360 = arith.constant 0 : i32
    %dma_wait3A_361 = tpu.memref_slice %arg4[%dma_wait3A_349, %dma_wait3A_359, %dma_wait3A_360] : memref<2x8x4096xf32, #tpu.memory_space<vmem>> -> memref<1x8x4096xf32, #tpu.memory_space<vmem>>
    %dma_wait3A_362 = tpu.memref_squeeze %dma_wait3A_361 : memref<1x8x4096xf32, #tpu.memory_space<vmem>> -> memref<8x4096xf32, #tpu.memory_space<vmem>>
    %dma_wait3A_363 = arith.constant 0 : i32
    %dma_wait3A_364 = tpu.memref_slice %arg2[%add3A_348, %dma_wait3A_363] : memref<8192x4096xf32, #tpu.memory_space<hbm>> -> memref<8x4096xf32, #tpu.memory_space<hbm>>
    tpu.wait_dma2 semaphore(%dma_wait3A_358 : memref<!tpu.dma_semaphore, #tpu.memory_space<semaphore_mem>>) src(%dma_wait3A_364 : memref<8x4096xf32, #tpu.memory_space<hbm>>) dst(%dma_wait3A_362 : memref<8x4096xf32, #tpu.memory_space<vmem>>)
    %add3A_365 = arith.constant 32 : i32
    %add3A_366 = arith.addi %mul3A_2, %add3A_365 : i32
    %dma_start3A_367 = arith.constant 0 : i32
    %dma_start3A_368 = arith.constant 0 : i32
    %dma_start3A_369 = arith.constant 0 : i32
    %dma_start3A_370 = arith.constant 0 : i32
    %dma_start3A_371 = tpu.memref_slice %arg4[%dma_start3A_367, %dma_start3A_369, %dma_start3A_370] : memref<2x8x4096xf32, #tpu.memory_space<vmem>> -> memref<1x8x4096xf32, #tpu.memory_space<vmem>>
    %dma_start3A_372 = tpu.memref_squeeze %dma_start3A_371 : memref<1x8x4096xf32, #tpu.memory_space<vmem>> -> memref<8x4096xf32, #tpu.memory_space<vmem>>
    %dma_start3A_373 = arith.constant 0 : i32
    %dma_start3A_374 = tpu.memref_slice %arg3[%add3A_366, %dma_start3A_373] : memref<3584x4096xf32, #tpu.memory_space<hbm>> -> memref<8x4096xf32, #tpu.memory_space<hbm>>
    %dma_start3A_375 = tpu.memref_slice %arg6[%dma_start3A_368] : memref<2x!tpu.dma_semaphore, #tpu.memory_space<semaphore_mem>> -> memref<1x!tpu.dma_semaphore, #tpu.memory_space<semaphore_mem>>
    %dma_start3A_376 = tpu.memref_squeeze %dma_start3A_375 : memref<1x!tpu.dma_semaphore, #tpu.memory_space<semaphore_mem>> -> memref<!tpu.dma_semaphore, #tpu.memory_space<semaphore_mem>>
    %dma_start3A_377 = arith.constant 0 : i32
    %dma_start3A_378 = tpu.memref_slice %arg3[%add3A_366, %dma_start3A_377] : memref<3584x4096xf32, #tpu.memory_space<hbm>> -> memref<8x4096xf32, #tpu.memory_space<hbm>>
    %dma_start3A_379 = arith.constant 0 : i32
    %dma_start3A_380 = arith.constant 0 : i32
    %dma_start3A_381 = tpu.memref_slice %arg4[%dma_start3A_367, %dma_start3A_379, %dma_start3A_380] : memref<2x8x4096xf32, #tpu.memory_space<vmem>> -> memref<1x8x4096xf32, #tpu.memory_space<vmem>>
    %dma_start3A_382 = tpu.memref_squeeze %dma_start3A_381 : memref<1x8x4096xf32, #tpu.memory_space<vmem>> -> memref<8x4096xf32, #tpu.memory_space<vmem>>
    tpu.enqueue_dma source(%dma_start3A_382 : memref<8x4096xf32, #tpu.memory_space<vmem>>) target(%dma_start3A_378 : memref<8x4096xf32, #tpu.memory_space<hbm>>) target_semaphore(%dma_start3A_376 : memref<!tpu.dma_semaphore, #tpu.memory_space<semaphore_mem>>)
    %add3A_383 = arith.constant 32 : i32
    %add3A_384 = arith.addi %mul3A_2, %add3A_383 : i32
    %dma_wait3A_385 = arith.constant 0 : i32
    %dma_wait3A_386 = arith.constant 0 : i32
    %dma_wait3A_387 = arith.constant 0 : i32
    %dma_wait3A_388 = arith.constant 0 : i32
    %dma_wait3A_389 = tpu.memref_slice %arg4[%dma_wait3A_385, %dma_wait3A_387, %dma_wait3A_388] : memref<2x8x4096xf32, #tpu.memory_space<vmem>> -> memref<1x8x4096xf32, #tpu.memory_space<vmem>>
    %dma_wait3A_390 = tpu.memref_squeeze %dma_wait3A_389 : memref<1x8x4096xf32, #tpu.memory_space<vmem>> -> memref<8x4096xf32, #tpu.memory_space<vmem>>
    %dma_wait3A_391 = arith.constant 0 : i32
    %dma_wait3A_392 = tpu.memref_slice %arg3[%add3A_384, %dma_wait3A_391] : memref<3584x4096xf32, #tpu.memory_space<hbm>> -> memref<8x4096xf32, #tpu.memory_space<hbm>>
    %dma_wait3A_393 = tpu.memref_slice %arg6[%dma_wait3A_386] : memref<2x!tpu.dma_semaphore, #tpu.memory_space<semaphore_mem>> -> memref<1x!tpu.dma_semaphore, #tpu.memory_space<semaphore_mem>>
    %dma_wait3A_394 = tpu.memref_squeeze %dma_wait3A_393 : memref<1x!tpu.dma_semaphore, #tpu.memory_space<semaphore_mem>> -> memref<!tpu.dma_semaphore, #tpu.memory_space<semaphore_mem>>
    %dma_wait3A_395 = arith.constant 0 : i32
    %dma_wait3A_396 = tpu.memref_slice %arg3[%add3A_384, %dma_wait3A_395] : memref<3584x4096xf32, #tpu.memory_space<hbm>> -> memref<8x4096xf32, #tpu.memory_space<hbm>>
    %dma_wait3A_397 = arith.constant 0 : i32
    %dma_wait3A_398 = arith.constant 0 : i32
    %dma_wait3A_399 = tpu.memref_slice %arg4[%dma_wait3A_385, %dma_wait3A_397, %dma_wait3A_398] : memref<2x8x4096xf32, #tpu.memory_space<vmem>> -> memref<1x8x4096xf32, #tpu.memory_space<vmem>>
    %dma_wait3A_400 = tpu.memref_squeeze %dma_wait3A_399 : memref<1x8x4096xf32, #tpu.memory_space<vmem>> -> memref<8x4096xf32, #tpu.memory_space<vmem>>
    tpu.wait_dma2 semaphore(%dma_wait3A_394 : memref<!tpu.dma_semaphore, #tpu.memory_space<semaphore_mem>>) src(%dma_wait3A_400 : memref<8x4096xf32, #tpu.memory_space<vmem>>) dst(%dma_wait3A_396 : memref<8x4096xf32, #tpu.memory_space<hbm>>)
    %add3A_401 = arith.constant 4608 : i32
    %add3A_402 = arith.addi %add3A_401, %mul3A_2 : i32
    %add3A_403 = arith.constant 48 : i32
    %add3A_404 = arith.addi %add3A_402, %add3A_403 : i32
    %dma_start3A_405 = arith.constant 0 : i32
    %dma_start3A_406 = arith.constant 0 : i32
    %dma_start3A_407 = arith.constant 0 : i32
    %dma_start3A_408 = arith.constant 0 : i32
    %dma_start3A_409 = tpu.memref_slice %arg4[%dma_start3A_405, %dma_start3A_407, %dma_start3A_408] : memref<2x8x4096xf32, #tpu.memory_space<vmem>> -> memref<1x8x4096xf32, #tpu.memory_space<vmem>>
    %dma_start3A_410 = tpu.memref_squeeze %dma_start3A_409 : memref<1x8x4096xf32, #tpu.memory_space<vmem>> -> memref<8x4096xf32, #tpu.memory_space<vmem>>
    %dma_start3A_411 = arith.constant 0 : i32
    %dma_start3A_412 = tpu.memref_slice %arg2[%add3A_404, %dma_start3A_411] : memref<8192x4096xf32, #tpu.memory_space<hbm>> -> memref<8x4096xf32, #tpu.memory_space<hbm>>
    %dma_start3A_413 = tpu.memref_slice %arg5[%dma_start3A_406] : memref<2x!tpu.dma_semaphore, #tpu.memory_space<semaphore_mem>> -> memref<1x!tpu.dma_semaphore, #tpu.memory_space<semaphore_mem>>
    %dma_start3A_414 = tpu.memref_squeeze %dma_start3A_413 : memref<1x!tpu.dma_semaphore, #tpu.memory_space<semaphore_mem>> -> memref<!tpu.dma_semaphore, #tpu.memory_space<semaphore_mem>>
    %dma_start3A_415 = arith.constant 0 : i32
    %dma_start3A_416 = arith.constant 0 : i32
    %dma_start3A_417 = tpu.memref_slice %arg4[%dma_start3A_405, %dma_start3A_415, %dma_start3A_416] : memref<2x8x4096xf32, #tpu.memory_space<vmem>> -> memref<1x8x4096xf32, #tpu.memory_space<vmem>>
    %dma_start3A_418 = tpu.memref_squeeze %dma_start3A_417 : memref<1x8x4096xf32, #tpu.memory_space<vmem>> -> memref<8x4096xf32, #tpu.memory_space<vmem>>
    %dma_start3A_419 = arith.constant 0 : i32
    %dma_start3A_420 = tpu.memref_slice %arg2[%add3A_404, %dma_start3A_419] : memref<8192x4096xf32, #tpu.memory_space<hbm>> -> memref<8x4096xf32, #tpu.memory_space<hbm>>
    tpu.enqueue_dma source(%dma_start3A_420 : memref<8x4096xf32, #tpu.memory_space<hbm>>) target(%dma_start3A_418 : memref<8x4096xf32, #tpu.memory_space<vmem>>) target_semaphore(%dma_start3A_414 : memref<!tpu.dma_semaphore, #tpu.memory_space<semaphore_mem>>)
    %add3A_421 = arith.constant 4608 : i32
    %add3A_422 = arith.addi %add3A_421, %mul3A_2 : i32
    %add3A_423 = arith.constant 40 : i32
    %add3A_424 = arith.addi %add3A_422, %add3A_423 : i32
    %dma_wait3A_425 = arith.constant 1 : i32
    %dma_wait3A_426 = arith.constant 1 : i32
    %dma_wait3A_427 = arith.constant 0 : i32
    %dma_wait3A_428 = arith.constant 0 : i32
    %dma_wait3A_429 = tpu.memref_slice %arg4[%dma_wait3A_425, %dma_wait3A_427, %dma_wait3A_428] : memref<2x8x4096xf32, #tpu.memory_space<vmem>> -> memref<1x8x4096xf32, #tpu.memory_space<vmem>>
    %dma_wait3A_430 = tpu.memref_squeeze %dma_wait3A_429 : memref<1x8x4096xf32, #tpu.memory_space<vmem>> -> memref<8x4096xf32, #tpu.memory_space<vmem>>
    %dma_wait3A_431 = arith.constant 0 : i32
    %dma_wait3A_432 = tpu.memref_slice %arg2[%add3A_424, %dma_wait3A_431] : memref<8192x4096xf32, #tpu.memory_space<hbm>> -> memref<8x4096xf32, #tpu.memory_space<hbm>>
    %dma_wait3A_433 = tpu.memref_slice %arg5[%dma_wait3A_426] : memref<2x!tpu.dma_semaphore, #tpu.memory_space<semaphore_mem>> -> memref<1x!tpu.dma_semaphore, #tpu.memory_space<semaphore_mem>>
    %dma_wait3A_434 = tpu.memref_squeeze %dma_wait3A_433 : memref<1x!tpu.dma_semaphore, #tpu.memory_space<semaphore_mem>> -> memref<!tpu.dma_semaphore, #tpu.memory_space<semaphore_mem>>
    %dma_wait3A_435 = arith.constant 0 : i32
    %dma_wait3A_436 = arith.constant 0 : i32
    %dma_wait3A_437 = tpu.memref_slice %arg4[%dma_wait3A_425, %dma_wait3A_435, %dma_wait3A_436] : memref<2x8x4096xf32, #tpu.memory_space<vmem>> -> memref<1x8x4096xf32, #tpu.memory_space<vmem>>
    %dma_wait3A_438 = tpu.memref_squeeze %dma_wait3A_437 : memref<1x8x4096xf32, #tpu.memory_space<vmem>> -> memref<8x4096xf32, #tpu.memory_space<vmem>>
    %dma_wait3A_439 = arith.constant 0 : i32
    %dma_wait3A_440 = tpu.memref_slice %arg2[%add3A_424, %dma_wait3A_439] : memref<8192x4096xf32, #tpu.memory_space<hbm>> -> memref<8x4096xf32, #tpu.memory_space<hbm>>
    tpu.wait_dma2 semaphore(%dma_wait3A_434 : memref<!tpu.dma_semaphore, #tpu.memory_space<semaphore_mem>>) src(%dma_wait3A_440 : memref<8x4096xf32, #tpu.memory_space<hbm>>) dst(%dma_wait3A_438 : memref<8x4096xf32, #tpu.memory_space<vmem>>)
    %add3A_441 = arith.constant 40 : i32
    %add3A_442 = arith.addi %mul3A_2, %add3A_441 : i32
    %dma_start3A_443 = arith.constant 1 : i32
    %dma_start3A_444 = arith.constant 1 : i32
    %dma_start3A_445 = arith.constant 0 : i32
    %dma_start3A_446 = arith.constant 0 : i32
    %dma_start3A_447 = tpu.memref_slice %arg4[%dma_start3A_443, %dma_start3A_445, %dma_start3A_446] : memref<2x8x4096xf32, #tpu.memory_space<vmem>> -> memref<1x8x4096xf32, #tpu.memory_space<vmem>>
    %dma_start3A_448 = tpu.memref_squeeze %dma_start3A_447 : memref<1x8x4096xf32, #tpu.memory_space<vmem>> -> memref<8x4096xf32, #tpu.memory_space<vmem>>
    %dma_start3A_449 = arith.constant 0 : i32
    %dma_start3A_450 = tpu.memref_slice %arg3[%add3A_442, %dma_start3A_449] : memref<3584x4096xf32, #tpu.memory_space<hbm>> -> memref<8x4096xf32, #tpu.memory_space<hbm>>
    %dma_start3A_451 = tpu.memref_slice %arg6[%dma_start3A_444] : memref<2x!tpu.dma_semaphore, #tpu.memory_space<semaphore_mem>> -> memref<1x!tpu.dma_semaphore, #tpu.memory_space<semaphore_mem>>
    %dma_start3A_452 = tpu.memref_squeeze %dma_start3A_451 : memref<1x!tpu.dma_semaphore, #tpu.memory_space<semaphore_mem>> -> memref<!tpu.dma_semaphore, #tpu.memory_space<semaphore_mem>>
    %dma_start3A_453 = arith.constant 0 : i32
    %dma_start3A_454 = tpu.memref_slice %arg3[%add3A_442, %dma_start3A_453] : memref<3584x4096xf32, #tpu.memory_space<hbm>> -> memref<8x4096xf32, #tpu.memory_space<hbm>>
    %dma_start3A_455 = arith.constant 0 : i32
    %dma_start3A_456 = arith.constant 0 : i32
    %dma_start3A_457 = tpu.memref_slice %arg4[%dma_start3A_443, %dma_start3A_455, %dma_start3A_456] : memref<2x8x4096xf32, #tpu.memory_space<vmem>> -> memref<1x8x4096xf32, #tpu.memory_space<vmem>>
    %dma_start3A_458 = tpu.memref_squeeze %dma_start3A_457 : memref<1x8x4096xf32, #tpu.memory_space<vmem>> -> memref<8x4096xf32, #tpu.memory_space<vmem>>
    tpu.enqueue_dma source(%dma_start3A_458 : memref<8x4096xf32, #tpu.memory_space<vmem>>) target(%dma_start3A_454 : memref<8x4096xf32, #tpu.memory_space<hbm>>) target_semaphore(%dma_start3A_452 : memref<!tpu.dma_semaphore, #tpu.memory_space<semaphore_mem>>)
    %add3A_459 = arith.constant 40 : i32
    %add3A_460 = arith.addi %mul3A_2, %add3A_459 : i32
    %dma_wait3A_461 = arith.constant 1 : i32
    %dma_wait3A_462 = arith.constant 1 : i32
    %dma_wait3A_463 = arith.constant 0 : i32
    %dma_wait3A_464 = arith.constant 0 : i32
    %dma_wait3A_465 = tpu.memref_slice %arg4[%dma_wait3A_461, %dma_wait3A_463, %dma_wait3A_464] : memref<2x8x4096xf32, #tpu.memory_space<vmem>> -> memref<1x8x4096xf32, #tpu.memory_space<vmem>>
    %dma_wait3A_466 = tpu.memref_squeeze %dma_wait3A_465 : memref<1x8x4096xf32, #tpu.memory_space<vmem>> -> memref<8x4096xf32, #tpu.memory_space<vmem>>
    %dma_wait3A_467 = arith.constant 0 : i32
    %dma_wait3A_468 = tpu.memref_slice %arg3[%add3A_460, %dma_wait3A_467] : memref<3584x4096xf32, #tpu.memory_space<hbm>> -> memref<8x4096xf32, #tpu.memory_space<hbm>>
    %dma_wait3A_469 = tpu.memref_slice %arg6[%dma_wait3A_462] : memref<2x!tpu.dma_semaphore, #tpu.memory_space<semaphore_mem>> -> memref<1x!tpu.dma_semaphore, #tpu.memory_space<semaphore_mem>>
    %dma_wait3A_470 = tpu.memref_squeeze %dma_wait3A_469 : memref<1x!tpu.dma_semaphore, #tpu.memory_space<semaphore_mem>> -> memref<!tpu.dma_semaphore, #tpu.memory_space<semaphore_mem>>
    %dma_wait3A_471 = arith.constant 0 : i32
    %dma_wait3A_472 = tpu.memref_slice %arg3[%add3A_460, %dma_wait3A_471] : memref<3584x4096xf32, #tpu.memory_space<hbm>> -> memref<8x4096xf32, #tpu.memory_space<hbm>>
    %dma_wait3A_473 = arith.constant 0 : i32
    %dma_wait3A_474 = arith.constant 0 : i32
    %dma_wait3A_475 = tpu.memref_slice %arg4[%dma_wait3A_461, %dma_wait3A_473, %dma_wait3A_474] : memref<2x8x4096xf32, #tpu.memory_space<vmem>> -> memref<1x8x4096xf32, #tpu.memory_space<vmem>>
    %dma_wait3A_476 = tpu.memref_squeeze %dma_wait3A_475 : memref<1x8x4096xf32, #tpu.memory_space<vmem>> -> memref<8x4096xf32, #tpu.memory_space<vmem>>
    tpu.wait_dma2 semaphore(%dma_wait3A_470 : memref<!tpu.dma_semaphore, #tpu.memory_space<semaphore_mem>>) src(%dma_wait3A_476 : memref<8x4096xf32, #tpu.memory_space<vmem>>) dst(%dma_wait3A_472 : memref<8x4096xf32, #tpu.memory_space<hbm>>)
    %add3A_477 = arith.constant 4608 : i32
    %add3A_478 = arith.addi %add3A_477, %mul3A_2 : i32
    %add3A_479 = arith.constant 56 : i32
    %add3A_480 = arith.addi %add3A_478, %add3A_479 : i32
    %dma_start3A_481 = arith.constant 1 : i32
    %dma_start3A_482 = arith.constant 1 : i32
    %dma_start3A_483 = arith.constant 0 : i32
    %dma_start3A_484 = arith.constant 0 : i32
    %dma_start3A_485 = tpu.memref_slice %arg4[%dma_start3A_481, %dma_start3A_483, %dma_start3A_484] : memref<2x8x4096xf32, #tpu.memory_space<vmem>> -> memref<1x8x4096xf32, #tpu.memory_space<vmem>>
    %dma_start3A_486 = tpu.memref_squeeze %dma_start3A_485 : memref<1x8x4096xf32, #tpu.memory_space<vmem>> -> memref<8x4096xf32, #tpu.memory_space<vmem>>
    %dma_start3A_487 = arith.constant 0 : i32
    %dma_start3A_488 = tpu.memref_slice %arg2[%add3A_480, %dma_start3A_487] : memref<8192x4096xf32, #tpu.memory_space<hbm>> -> memref<8x4096xf32, #tpu.memory_space<hbm>>
    %dma_start3A_489 = tpu.memref_slice %arg5[%dma_start3A_482] : memref<2x!tpu.dma_semaphore, #tpu.memory_space<semaphore_mem>> -> memref<1x!tpu.dma_semaphore, #tpu.memory_space<semaphore_mem>>
    %dma_start3A_490 = tpu.memref_squeeze %dma_start3A_489 : memref<1x!tpu.dma_semaphore, #tpu.memory_space<semaphore_mem>> -> memref<!tpu.dma_semaphore, #tpu.memory_space<semaphore_mem>>
    %dma_start3A_491 = arith.constant 0 : i32
    %dma_start3A_492 = arith.constant 0 : i32
    %dma_start3A_493 = tpu.memref_slice %arg4[%dma_start3A_481, %dma_start3A_491, %dma_start3A_492] : memref<2x8x4096xf32, #tpu.memory_space<vmem>> -> memref<1x8x4096xf32, #tpu.memory_space<vmem>>
    %dma_start3A_494 = tpu.memref_squeeze %dma_start3A_493 : memref<1x8x4096xf32, #tpu.memory_space<vmem>> -> memref<8x4096xf32, #tpu.memory_space<vmem>>
    %dma_start3A_495 = arith.constant 0 : i32
    %dma_start3A_496 = tpu.memref_slice %arg2[%add3A_480, %dma_start3A_495] : memref<8192x4096xf32, #tpu.memory_space<hbm>> -> memref<8x4096xf32, #tpu.memory_space<hbm>>
    tpu.enqueue_dma source(%dma_start3A_496 : memref<8x4096xf32, #tpu.memory_space<hbm>>) target(%dma_start3A_494 : memref<8x4096xf32, #tpu.memory_space<vmem>>) target_semaphore(%dma_start3A_490 : memref<!tpu.dma_semaphore, #tpu.memory_space<semaphore_mem>>)
    %add3A_497 = arith.constant 4608 : i32
    %add3A_498 = arith.addi %add3A_497, %mul3A_2 : i32
    %add3A_499 = arith.constant 48 : i32
    %add3A_500 = arith.addi %add3A_498, %add3A_499 : i32
    %dma_wait3A_501 = arith.constant 0 : i32
    %dma_wait3A_502 = arith.constant 0 : i32
    %dma_wait3A_503 = arith.constant 0 : i32
    %dma_wait3A_504 = arith.constant 0 : i32
    %dma_wait3A_505 = tpu.memref_slice %arg4[%dma_wait3A_501, %dma_wait3A_503, %dma_wait3A_504] : memref<2x8x4096xf32, #tpu.memory_space<vmem>> -> memref<1x8x4096xf32, #tpu.memory_space<vmem>>
    %dma_wait3A_506 = tpu.memref_squeeze %dma_wait3A_505 : memref<1x8x4096xf32, #tpu.memory_space<vmem>> -> memref<8x4096xf32, #tpu.memory_space<vmem>>
    %dma_wait3A_507 = arith.constant 0 : i32
    %dma_wait3A_508 = tpu.memref_slice %arg2[%add3A_500, %dma_wait3A_507] : memref<8192x4096xf32, #tpu.memory_space<hbm>> -> memref<8x4096xf32, #tpu.memory_space<hbm>>
    %dma_wait3A_509 = tpu.memref_slice %arg5[%dma_wait3A_502] : memref<2x!tpu.dma_semaphore, #tpu.memory_space<semaphore_mem>> -> memref<1x!tpu.dma_semaphore, #tpu.memory_space<semaphore_mem>>
    %dma_wait3A_510 = tpu.memref_squeeze %dma_wait3A_509 : memref<1x!tpu.dma_semaphore, #tpu.memory_space<semaphore_mem>> -> memref<!tpu.dma_semaphore, #tpu.memory_space<semaphore_mem>>
    %dma_wait3A_511 = arith.constant 0 : i32
    %dma_wait3A_512 = arith.constant 0 : i32
    %dma_wait3A_513 = tpu.memref_slice %arg4[%dma_wait3A_501, %dma_wait3A_511, %dma_wait3A_512] : memref<2x8x4096xf32, #tpu.memory_space<vmem>> -> memref<1x8x4096xf32, #tpu.memory_space<vmem>>
    %dma_wait3A_514 = tpu.memref_squeeze %dma_wait3A_513 : memref<1x8x4096xf32, #tpu.memory_space<vmem>> -> memref<8x4096xf32, #tpu.memory_space<vmem>>
    %dma_wait3A_515 = arith.constant 0 : i32
    %dma_wait3A_516 = tpu.memref_slice %arg2[%add3A_500, %dma_wait3A_515] : memref<8192x4096xf32, #tpu.memory_space<hbm>> -> memref<8x4096xf32, #tpu.memory_space<hbm>>
    tpu.wait_dma2 semaphore(%dma_wait3A_510 : memref<!tpu.dma_semaphore, #tpu.memory_space<semaphore_mem>>) src(%dma_wait3A_516 : memref<8x4096xf32, #tpu.memory_space<hbm>>) dst(%dma_wait3A_514 : memref<8x4096xf32, #tpu.memory_space<vmem>>)
    %add3A_517 = arith.constant 48 : i32
    %add3A_518 = arith.addi %mul3A_2, %add3A_517 : i32
    %dma_start3A_519 = arith.constant 0 : i32
    %dma_start3A_520 = arith.constant 0 : i32
    %dma_start3A_521 = arith.constant 0 : i32
    %dma_start3A_522 = arith.constant 0 : i32
    %dma_start3A_523 = tpu.memref_slice %arg4[%dma_start3A_519, %dma_start3A_521, %dma_start3A_522] : memref<2x8x4096xf32, #tpu.memory_space<vmem>> -> memref<1x8x4096xf32, #tpu.memory_space<vmem>>
    %dma_start3A_524 = tpu.memref_squeeze %dma_start3A_523 : memref<1x8x4096xf32, #tpu.memory_space<vmem>> -> memref<8x4096xf32, #tpu.memory_space<vmem>>
    %dma_start3A_525 = arith.constant 0 : i32
    %dma_start3A_526 = tpu.memref_slice %arg3[%add3A_518, %dma_start3A_525] : memref<3584x4096xf32, #tpu.memory_space<hbm>> -> memref<8x4096xf32, #tpu.memory_space<hbm>>
    %dma_start3A_527 = tpu.memref_slice %arg6[%dma_start3A_520] : memref<2x!tpu.dma_semaphore, #tpu.memory_space<semaphore_mem>> -> memref<1x!tpu.dma_semaphore, #tpu.memory_space<semaphore_mem>>
    %dma_start3A_528 = tpu.memref_squeeze %dma_start3A_527 : memref<1x!tpu.dma_semaphore, #tpu.memory_space<semaphore_mem>> -> memref<!tpu.dma_semaphore, #tpu.memory_space<semaphore_mem>>
    %dma_start3A_529 = arith.constant 0 : i32
    %dma_start3A_530 = tpu.memref_slice %arg3[%add3A_518, %dma_start3A_529] : memref<3584x4096xf32, #tpu.memory_space<hbm>> -> memref<8x4096xf32, #tpu.memory_space<hbm>>
    %dma_start3A_531 = arith.constant 0 : i32
    %dma_start3A_532 = arith.constant 0 : i32
    %dma_start3A_533 = tpu.memref_slice %arg4[%dma_start3A_519, %dma_start3A_531, %dma_start3A_532] : memref<2x8x4096xf32, #tpu.memory_space<vmem>> -> memref<1x8x4096xf32, #tpu.memory_space<vmem>>
    %dma_start3A_534 = tpu.memref_squeeze %dma_start3A_533 : memref<1x8x4096xf32, #tpu.memory_space<vmem>> -> memref<8x4096xf32, #tpu.memory_space<vmem>>
    tpu.enqueue_dma source(%dma_start3A_534 : memref<8x4096xf32, #tpu.memory_space<vmem>>) target(%dma_start3A_530 : memref<8x4096xf32, #tpu.memory_space<hbm>>) target_semaphore(%dma_start3A_528 : memref<!tpu.dma_semaphore, #tpu.memory_space<semaphore_mem>>)
    %add3A_535 = arith.constant 48 : i32
    %add3A_536 = arith.addi %mul3A_2, %add3A_535 : i32
    %dma_wait3A_537 = arith.constant 0 : i32
    %dma_wait3A_538 = arith.constant 0 : i32
    %dma_wait3A_539 = arith.constant 0 : i32
    %dma_wait3A_540 = arith.constant 0 : i32
    %dma_wait3A_541 = tpu.memref_slice %arg4[%dma_wait3A_537, %dma_wait3A_539, %dma_wait3A_540] : memref<2x8x4096xf32, #tpu.memory_space<vmem>> -> memref<1x8x4096xf32, #tpu.memory_space<vmem>>
    %dma_wait3A_542 = tpu.memref_squeeze %dma_wait3A_541 : memref<1x8x4096xf32, #tpu.memory_space<vmem>> -> memref<8x4096xf32, #tpu.memory_space<vmem>>
    %dma_wait3A_543 = arith.constant 0 : i32
    %dma_wait3A_544 = tpu.memref_slice %arg3[%add3A_536, %dma_wait3A_543] : memref<3584x4096xf32, #tpu.memory_space<hbm>> -> memref<8x4096xf32, #tpu.memory_space<hbm>>
    %dma_wait3A_545 = tpu.memref_slice %arg6[%dma_wait3A_538] : memref<2x!tpu.dma_semaphore, #tpu.memory_space<semaphore_mem>> -> memref<1x!tpu.dma_semaphore, #tpu.memory_space<semaphore_mem>>
    %dma_wait3A_546 = tpu.memref_squeeze %dma_wait3A_545 : memref<1x!tpu.dma_semaphore, #tpu.memory_space<semaphore_mem>> -> memref<!tpu.dma_semaphore, #tpu.memory_space<semaphore_mem>>
    %dma_wait3A_547 = arith.constant 0 : i32
    %dma_wait3A_548 = tpu.memref_slice %arg3[%add3A_536, %dma_wait3A_547] : memref<3584x4096xf32, #tpu.memory_space<hbm>> -> memref<8x4096xf32, #tpu.memory_space<hbm>>
    %dma_wait3A_549 = arith.constant 0 : i32
    %dma_wait3A_550 = arith.constant 0 : i32
    %dma_wait3A_551 = tpu.memref_slice %arg4[%dma_wait3A_537, %dma_wait3A_549, %dma_wait3A_550] : memref<2x8x4096xf32, #tpu.memory_space<vmem>> -> memref<1x8x4096xf32, #tpu.memory_space<vmem>>
    %dma_wait3A_552 = tpu.memref_squeeze %dma_wait3A_551 : memref<1x8x4096xf32, #tpu.memory_space<vmem>> -> memref<8x4096xf32, #tpu.memory_space<vmem>>
    tpu.wait_dma2 semaphore(%dma_wait3A_546 : memref<!tpu.dma_semaphore, #tpu.memory_space<semaphore_mem>>) src(%dma_wait3A_552 : memref<8x4096xf32, #tpu.memory_space<vmem>>) dst(%dma_wait3A_548 : memref<8x4096xf32, #tpu.memory_space<hbm>>)
    %add3A_553 = arith.constant 4608 : i32
    %add3A_554 = arith.addi %add3A_553, %mul3A_2 : i32
    %add3A_555 = arith.constant 64 : i32
    %add3A_556 = arith.addi %add3A_554, %add3A_555 : i32
    %dma_start3A_557 = arith.constant 0 : i32
    %dma_start3A_558 = arith.constant 0 : i32
    %dma_start3A_559 = arith.constant 0 : i32
    %dma_start3A_560 = arith.constant 0 : i32
    %dma_start3A_561 = tpu.memref_slice %arg4[%dma_start3A_557, %dma_start3A_559, %dma_start3A_560] : memref<2x8x4096xf32, #tpu.memory_space<vmem>> -> memref<1x8x4096xf32, #tpu.memory_space<vmem>>
    %dma_start3A_562 = tpu.memref_squeeze %dma_start3A_561 : memref<1x8x4096xf32, #tpu.memory_space<vmem>> -> memref<8x4096xf32, #tpu.memory_space<vmem>>
    %dma_start3A_563 = arith.constant 0 : i32
    %dma_start3A_564 = tpu.memref_slice %arg2[%add3A_556, %dma_start3A_563] : memref<8192x4096xf32, #tpu.memory_space<hbm>> -> memref<8x4096xf32, #tpu.memory_space<hbm>>
    %dma_start3A_565 = tpu.memref_slice %arg5[%dma_start3A_558] : memref<2x!tpu.dma_semaphore, #tpu.memory_space<semaphore_mem>> -> memref<1x!tpu.dma_semaphore, #tpu.memory_space<semaphore_mem>>
    %dma_start3A_566 = tpu.memref_squeeze %dma_start3A_565 : memref<1x!tpu.dma_semaphore, #tpu.memory_space<semaphore_mem>> -> memref<!tpu.dma_semaphore, #tpu.memory_space<semaphore_mem>>
    %dma_start3A_567 = arith.constant 0 : i32
    %dma_start3A_568 = arith.constant 0 : i32
    %dma_start3A_569 = tpu.memref_slice %arg4[%dma_start3A_557, %dma_start3A_567, %dma_start3A_568] : memref<2x8x4096xf32, #tpu.memory_space<vmem>> -> memref<1x8x4096xf32, #tpu.memory_space<vmem>>
    %dma_start3A_570 = tpu.memref_squeeze %dma_start3A_569 : memref<1x8x4096xf32, #tpu.memory_space<vmem>> -> memref<8x4096xf32, #tpu.memory_space<vmem>>
    %dma_start3A_571 = arith.constant 0 : i32
    %dma_start3A_572 = tpu.memref_slice %arg2[%add3A_556, %dma_start3A_571] : memref<8192x4096xf32, #tpu.memory_space<hbm>> -> memref<8x4096xf32, #tpu.memory_space<hbm>>
    tpu.enqueue_dma source(%dma_start3A_572 : memref<8x4096xf32, #tpu.memory_space<hbm>>) target(%dma_start3A_570 : memref<8x4096xf32, #tpu.memory_space<vmem>>) target_semaphore(%dma_start3A_566 : memref<!tpu.dma_semaphore, #tpu.memory_space<semaphore_mem>>)
    %add3A_573 = arith.constant 4608 : i32
    %add3A_574 = arith.addi %add3A_573, %mul3A_2 : i32
    %add3A_575 = arith.constant 56 : i32
    %add3A_576 = arith.addi %add3A_574, %add3A_575 : i32
    %dma_wait3A_577 = arith.constant 1 : i32
    %dma_wait3A_578 = arith.constant 1 : i32
    %dma_wait3A_579 = arith.constant 0 : i32
    %dma_wait3A_580 = arith.constant 0 : i32
    %dma_wait3A_581 = tpu.memref_slice %arg4[%dma_wait3A_577, %dma_wait3A_579, %dma_wait3A_580] : memref<2x8x4096xf32, #tpu.memory_space<vmem>> -> memref<1x8x4096xf32, #tpu.memory_space<vmem>>
    %dma_wait3A_582 = tpu.memref_squeeze %dma_wait3A_581 : memref<1x8x4096xf32, #tpu.memory_space<vmem>> -> memref<8x4096xf32, #tpu.memory_space<vmem>>
    %dma_wait3A_583 = arith.constant 0 : i32
    %dma_wait3A_584 = tpu.memref_slice %arg2[%add3A_576, %dma_wait3A_583] : memref<8192x4096xf32, #tpu.memory_space<hbm>> -> memref<8x4096xf32, #tpu.memory_space<hbm>>
    %dma_wait3A_585 = tpu.memref_slice %arg5[%dma_wait3A_578] : memref<2x!tpu.dma_semaphore, #tpu.memory_space<semaphore_mem>> -> memref<1x!tpu.dma_semaphore, #tpu.memory_space<semaphore_mem>>
    %dma_wait3A_586 = tpu.memref_squeeze %dma_wait3A_585 : memref<1x!tpu.dma_semaphore, #tpu.memory_space<semaphore_mem>> -> memref<!tpu.dma_semaphore, #tpu.memory_space<semaphore_mem>>
    %dma_wait3A_587 = arith.constant 0 : i32
    %dma_wait3A_588 = arith.constant 0 : i32
    %dma_wait3A_589 = tpu.memref_slice %arg4[%dma_wait3A_577, %dma_wait3A_587, %dma_wait3A_588] : memref<2x8x4096xf32, #tpu.memory_space<vmem>> -> memref<1x8x4096xf32, #tpu.memory_space<vmem>>
    %dma_wait3A_590 = tpu.memref_squeeze %dma_wait3A_589 : memref<1x8x4096xf32, #tpu.memory_space<vmem>> -> memref<8x4096xf32, #tpu.memory_space<vmem>>
    %dma_wait3A_591 = arith.constant 0 : i32
    %dma_wait3A_592 = tpu.memref_slice %arg2[%add3A_576, %dma_wait3A_591] : memref<8192x4096xf32, #tpu.memory_space<hbm>> -> memref<8x4096xf32, #tpu.memory_space<hbm>>
    tpu.wait_dma2 semaphore(%dma_wait3A_586 : memref<!tpu.dma_semaphore, #tpu.memory_space<semaphore_mem>>) src(%dma_wait3A_592 : memref<8x4096xf32, #tpu.memory_space<hbm>>) dst(%dma_wait3A_590 : memref<8x4096xf32, #tpu.memory_space<vmem>>)
    %add3A_593 = arith.constant 56 : i32
    %add3A_594 = arith.addi %mul3A_2, %add3A_593 : i32
    %dma_start3A_595 = arith.constant 1 : i32
    %dma_start3A_596 = arith.constant 1 : i32
    %dma_start3A_597 = arith.constant 0 : i32
    %dma_start3A_598 = arith.constant 0 : i32
    %dma_start3A_599 = tpu.memref_slice %arg4[%dma_start3A_595, %dma_start3A_597, %dma_start3A_598] : memref<2x8x4096xf32, #tpu.memory_space<vmem>> -> memref<1x8x4096xf32, #tpu.memory_space<vmem>>
    %dma_start3A_600 = tpu.memref_squeeze %dma_start3A_599 : memref<1x8x4096xf32, #tpu.memory_space<vmem>> -> memref<8x4096xf32, #tpu.memory_space<vmem>>
    %dma_start3A_601 = arith.constant 0 : i32
    %dma_start3A_602 = tpu.memref_slice %arg3[%add3A_594, %dma_start3A_601] : memref<3584x4096xf32, #tpu.memory_space<hbm>> -> memref<8x4096xf32, #tpu.memory_space<hbm>>
    %dma_start3A_603 = tpu.memref_slice %arg6[%dma_start3A_596] : memref<2x!tpu.dma_semaphore, #tpu.memory_space<semaphore_mem>> -> memref<1x!tpu.dma_semaphore, #tpu.memory_space<semaphore_mem>>
    %dma_start3A_604 = tpu.memref_squeeze %dma_start3A_603 : memref<1x!tpu.dma_semaphore, #tpu.memory_space<semaphore_mem>> -> memref<!tpu.dma_semaphore, #tpu.memory_space<semaphore_mem>>
    %dma_start3A_605 = arith.constant 0 : i32
    %dma_start3A_606 = tpu.memref_slice %arg3[%add3A_594, %dma_start3A_605] : memref<3584x4096xf32, #tpu.memory_space<hbm>> -> memref<8x4096xf32, #tpu.memory_space<hbm>>
    %dma_start3A_607 = arith.constant 0 : i32
    %dma_start3A_608 = arith.constant 0 : i32
    %dma_start3A_609 = tpu.memref_slice %arg4[%dma_start3A_595, %dma_start3A_607, %dma_start3A_608] : memref<2x8x4096xf32, #tpu.memory_space<vmem>> -> memref<1x8x4096xf32, #tpu.memory_space<vmem>>
    %dma_start3A_610 = tpu.memref_squeeze %dma_start3A_609 : memref<1x8x4096xf32, #tpu.memory_space<vmem>> -> memref<8x4096xf32, #tpu.memory_space<vmem>>
    tpu.enqueue_dma source(%dma_start3A_610 : memref<8x4096xf32, #tpu.memory_space<vmem>>) target(%dma_start3A_606 : memref<8x4096xf32, #tpu.memory_space<hbm>>) target_semaphore(%dma_start3A_604 : memref<!tpu.dma_semaphore, #tpu.memory_space<semaphore_mem>>)
    %add3A_611 = arith.constant 56 : i32
    %add3A_612 = arith.addi %mul3A_2, %add3A_611 : i32
    %dma_wait3A_613 = arith.constant 1 : i32
    %dma_wait3A_614 = arith.constant 1 : i32
    %dma_wait3A_615 = arith.constant 0 : i32
    %dma_wait3A_616 = arith.constant 0 : i32
    %dma_wait3A_617 = tpu.memref_slice %arg4[%dma_wait3A_613, %dma_wait3A_615, %dma_wait3A_616] : memref<2x8x4096xf32, #tpu.memory_space<vmem>> -> memref<1x8x4096xf32, #tpu.memory_space<vmem>>
    %dma_wait3A_618 = tpu.memref_squeeze %dma_wait3A_617 : memref<1x8x4096xf32, #tpu.memory_space<vmem>> -> memref<8x4096xf32, #tpu.memory_space<vmem>>
    %dma_wait3A_619 = arith.constant 0 : i32
    %dma_wait3A_620 = tpu.memref_slice %arg3[%add3A_612, %dma_wait3A_619] : memref<3584x4096xf32, #tpu.memory_space<hbm>> -> memref<8x4096xf32, #tpu.memory_space<hbm>>
    %dma_wait3A_621 = tpu.memref_slice %arg6[%dma_wait3A_614] : memref<2x!tpu.dma_semaphore, #tpu.memory_space<semaphore_mem>> -> memref<1x!tpu.dma_semaphore, #tpu.memory_space<semaphore_mem>>
    %dma_wait3A_622 = tpu.memref_squeeze %dma_wait3A_621 : memref<1x!tpu.dma_semaphore, #tpu.memory_space<semaphore_mem>> -> memref<!tpu.dma_semaphore, #tpu.memory_space<semaphore_mem>>
    %dma_wait3A_623 = arith.constant 0 : i32
    %dma_wait3A_624 = tpu.memref_slice %arg3[%add3A_612, %dma_wait3A_623] : memref<3584x4096xf32, #tpu.memory_space<hbm>> -> memref<8x4096xf32, #tpu.memory_space<hbm>>
    %dma_wait3A_625 = arith.constant 0 : i32
    %dma_wait3A_626 = arith.constant 0 : i32
    %dma_wait3A_627 = tpu.memref_slice %arg4[%dma_wait3A_613, %dma_wait3A_625, %dma_wait3A_626] : memref<2x8x4096xf32, #tpu.memory_space<vmem>> -> memref<1x8x4096xf32, #tpu.memory_space<vmem>>
    %dma_wait3A_628 = tpu.memref_squeeze %dma_wait3A_627 : memref<1x8x4096xf32, #tpu.memory_space<vmem>> -> memref<8x4096xf32, #tpu.memory_space<vmem>>
    tpu.wait_dma2 semaphore(%dma_wait3A_622 : memref<!tpu.dma_semaphore, #tpu.memory_space<semaphore_mem>>) src(%dma_wait3A_628 : memref<8x4096xf32, #tpu.memory_space<vmem>>) dst(%dma_wait3A_624 : memref<8x4096xf32, #tpu.memory_space<hbm>>)
    %add3A_629 = arith.constant 4608 : i32
    %add3A_630 = arith.addi %add3A_629, %mul3A_2 : i32
    %add3A_631 = arith.constant 72 : i32
    %add3A_632 = arith.addi %add3A_630, %add3A_631 : i32
    %dma_start3A_633 = arith.constant 1 : i32
    %dma_start3A_634 = arith.constant 1 : i32
    %dma_start3A_635 = arith.constant 0 : i32
    %dma_start3A_636 = arith.constant 0 : i32
    %dma_start3A_637 = tpu.memref_slice %arg4[%dma_start3A_633, %dma_start3A_635, %dma_start3A_636] : memref<2x8x4096xf32, #tpu.memory_space<vmem>> -> memref<1x8x4096xf32, #tpu.memory_space<vmem>>
    %dma_start3A_638 = tpu.memref_squeeze %dma_start3A_637 : memref<1x8x4096xf32, #tpu.memory_space<vmem>> -> memref<8x4096xf32, #tpu.memory_space<vmem>>
    %dma_start3A_639 = arith.constant 0 : i32
    %dma_start3A_640 = tpu.memref_slice %arg2[%add3A_632, %dma_start3A_639] : memref<8192x4096xf32, #tpu.memory_space<hbm>> -> memref<8x4096xf32, #tpu.memory_space<hbm>>
    %dma_start3A_641 = tpu.memref_slice %arg5[%dma_start3A_634] : memref<2x!tpu.dma_semaphore, #tpu.memory_space<semaphore_mem>> -> memref<1x!tpu.dma_semaphore, #tpu.memory_space<semaphore_mem>>
    %dma_start3A_642 = tpu.memref_squeeze %dma_start3A_641 : memref<1x!tpu.dma_semaphore, #tpu.memory_space<semaphore_mem>> -> memref<!tpu.dma_semaphore, #tpu.memory_space<semaphore_mem>>
    %dma_start3A_643 = arith.constant 0 : i32
    %dma_start3A_644 = arith.constant 0 : i32
    %dma_start3A_645 = tpu.memref_slice %arg4[%dma_start3A_633, %dma_start3A_643, %dma_start3A_644] : memref<2x8x4096xf32, #tpu.memory_space<vmem>> -> memref<1x8x4096xf32, #tpu.memory_space<vmem>>
    %dma_start3A_646 = tpu.memref_squeeze %dma_start3A_645 : memref<1x8x4096xf32, #tpu.memory_space<vmem>> -> memref<8x4096xf32, #tpu.memory_space<vmem>>
    %dma_start3A_647 = arith.constant 0 : i32
    %dma_start3A_648 = tpu.memref_slice %arg2[%add3A_632, %dma_start3A_647] : memref<8192x4096xf32, #tpu.memory_space<hbm>> -> memref<8x4096xf32, #tpu.memory_space<hbm>>
    tpu.enqueue_dma source(%dma_start3A_648 : memref<8x4096xf32, #tpu.memory_space<hbm>>) target(%dma_start3A_646 : memref<8x4096xf32, #tpu.memory_space<vmem>>) target_semaphore(%dma_start3A_642 : memref<!tpu.dma_semaphore, #tpu.memory_space<semaphore_mem>>)
    %add3A_649 = arith.constant 4608 : i32
    %add3A_650 = arith.addi %add3A_649, %mul3A_2 : i32
    %add3A_651 = arith.constant 64 : i32
    %add3A_652 = arith.addi %add3A_650, %add3A_651 : i32
    %dma_wait3A_653 = arith.constant 0 : i32
    %dma_wait3A_654 = arith.constant 0 : i32
    %dma_wait3A_655 = arith.constant 0 : i32
    %dma_wait3A_656 = arith.constant 0 : i32
    %dma_wait3A_657 = tpu.memref_slice %arg4[%dma_wait3A_653, %dma_wait3A_655, %dma_wait3A_656] : memref<2x8x4096xf32, #tpu.memory_space<vmem>> -> memref<1x8x4096xf32, #tpu.memory_space<vmem>>
    %dma_wait3A_658 = tpu.memref_squeeze %dma_wait3A_657 : memref<1x8x4096xf32, #tpu.memory_space<vmem>> -> memref<8x4096xf32, #tpu.memory_space<vmem>>
    %dma_wait3A_659 = arith.constant 0 : i32
    %dma_wait3A_660 = tpu.memref_slice %arg2[%add3A_652, %dma_wait3A_659] : memref<8192x4096xf32, #tpu.memory_space<hbm>> -> memref<8x4096xf32, #tpu.memory_space<hbm>>
    %dma_wait3A_661 = tpu.memref_slice %arg5[%dma_wait3A_654] : memref<2x!tpu.dma_semaphore, #tpu.memory_space<semaphore_mem>> -> memref<1x!tpu.dma_semaphore, #tpu.memory_space<semaphore_mem>>
    %dma_wait3A_662 = tpu.memref_squeeze %dma_wait3A_661 : memref<1x!tpu.dma_semaphore, #tpu.memory_space<semaphore_mem>> -> memref<!tpu.dma_semaphore, #tpu.memory_space<semaphore_mem>>
    %dma_wait3A_663 = arith.constant 0 : i32
    %dma_wait3A_664 = arith.constant 0 : i32
    %dma_wait3A_665 = tpu.memref_slice %arg4[%dma_wait3A_653, %dma_wait3A_663, %dma_wait3A_664] : memref<2x8x4096xf32, #tpu.memory_space<vmem>> -> memref<1x8x4096xf32, #tpu.memory_space<vmem>>
    %dma_wait3A_666 = tpu.memref_squeeze %dma_wait3A_665 : memref<1x8x4096xf32, #tpu.memory_space<vmem>> -> memref<8x4096xf32, #tpu.memory_space<vmem>>
    %dma_wait3A_667 = arith.constant 0 : i32
    %dma_wait3A_668 = tpu.memref_slice %arg2[%add3A_652, %dma_wait3A_667] : memref<8192x4096xf32, #tpu.memory_space<hbm>> -> memref<8x4096xf32, #tpu.memory_space<hbm>>
    tpu.wait_dma2 semaphore(%dma_wait3A_662 : memref<!tpu.dma_semaphore, #tpu.memory_space<semaphore_mem>>) src(%dma_wait3A_668 : memref<8x4096xf32, #tpu.memory_space<hbm>>) dst(%dma_wait3A_666 : memref<8x4096xf32, #tpu.memory_space<vmem>>)
    %add3A_669 = arith.constant 64 : i32
    %add3A_670 = arith.addi %mul3A_2, %add3A_669 : i32
    %dma_start3A_671 = arith.constant 0 : i32
    %dma_start3A_672 = arith.constant 0 : i32
    %dma_start3A_673 = arith.constant 0 : i32
    %dma_start3A_674 = arith.constant 0 : i32
    %dma_start3A_675 = tpu.memref_slice %arg4[%dma_start3A_671, %dma_start3A_673, %dma_start3A_674] : memref<2x8x4096xf32, #tpu.memory_space<vmem>> -> memref<1x8x4096xf32, #tpu.memory_space<vmem>>
    %dma_start3A_676 = tpu.memref_squeeze %dma_start3A_675 : memref<1x8x4096xf32, #tpu.memory_space<vmem>> -> memref<8x4096xf32, #tpu.memory_space<vmem>>
    %dma_start3A_677 = arith.constant 0 : i32
    %dma_start3A_678 = tpu.memref_slice %arg3[%add3A_670, %dma_start3A_677] : memref<3584x4096xf32, #tpu.memory_space<hbm>> -> memref<8x4096xf32, #tpu.memory_space<hbm>>
    %dma_start3A_679 = tpu.memref_slice %arg6[%dma_start3A_672] : memref<2x!tpu.dma_semaphore, #tpu.memory_space<semaphore_mem>> -> memref<1x!tpu.dma_semaphore, #tpu.memory_space<semaphore_mem>>
    %dma_start3A_680 = tpu.memref_squeeze %dma_start3A_679 : memref<1x!tpu.dma_semaphore, #tpu.memory_space<semaphore_mem>> -> memref<!tpu.dma_semaphore, #tpu.memory_space<semaphore_mem>>
    %dma_start3A_681 = arith.constant 0 : i32
    %dma_start3A_682 = tpu.memref_slice %arg3[%add3A_670, %dma_start3A_681] : memref<3584x4096xf32, #tpu.memory_space<hbm>> -> memref<8x4096xf32, #tpu.memory_space<hbm>>
    %dma_start3A_683 = arith.constant 0 : i32
    %dma_start3A_684 = arith.constant 0 : i32
    %dma_start3A_685 = tpu.memref_slice %arg4[%dma_start3A_671, %dma_start3A_683, %dma_start3A_684] : memref<2x8x4096xf32, #tpu.memory_space<vmem>> -> memref<1x8x4096xf32, #tpu.memory_space<vmem>>
    %dma_start3A_686 = tpu.memref_squeeze %dma_start3A_685 : memref<1x8x4096xf32, #tpu.memory_space<vmem>> -> memref<8x4096xf32, #tpu.memory_space<vmem>>
    tpu.enqueue_dma source(%dma_start3A_686 : memref<8x4096xf32, #tpu.memory_space<vmem>>) target(%dma_start3A_682 : memref<8x4096xf32, #tpu.memory_space<hbm>>) target_semaphore(%dma_start3A_680 : memref<!tpu.dma_semaphore, #tpu.memory_space<semaphore_mem>>)
    %add3A_687 = arith.constant 64 : i32
    %add3A_688 = arith.addi %mul3A_2, %add3A_687 : i32
    %dma_wait3A_689 = arith.constant 0 : i32
    %dma_wait3A_690 = arith.constant 0 : i32
    %dma_wait3A_691 = arith.constant 0 : i32
    %dma_wait3A_692 = arith.constant 0 : i32
    %dma_wait3A_693 = tpu.memref_slice %arg4[%dma_wait3A_689, %dma_wait3A_691, %dma_wait3A_692] : memref<2x8x4096xf32, #tpu.memory_space<vmem>> -> memref<1x8x4096xf32, #tpu.memory_space<vmem>>
    %dma_wait3A_694 = tpu.memref_squeeze %dma_wait3A_693 : memref<1x8x4096xf32, #tpu.memory_space<vmem>> -> memref<8x4096xf32, #tpu.memory_space<vmem>>
    %dma_wait3A_695 = arith.constant 0 : i32
    %dma_wait3A_696 = tpu.memref_slice %arg3[%add3A_688, %dma_wait3A_695] : memref<3584x4096xf32, #tpu.memory_space<hbm>> -> memref<8x4096xf32, #tpu.memory_space<hbm>>
    %dma_wait3A_697 = tpu.memref_slice %arg6[%dma_wait3A_690] : memref<2x!tpu.dma_semaphore, #tpu.memory_space<semaphore_mem>> -> memref<1x!tpu.dma_semaphore, #tpu.memory_space<semaphore_mem>>
    %dma_wait3A_698 = tpu.memref_squeeze %dma_wait3A_697 : memref<1x!tpu.dma_semaphore, #tpu.memory_space<semaphore_mem>> -> memref<!tpu.dma_semaphore, #tpu.memory_space<semaphore_mem>>
    %dma_wait3A_699 = arith.constant 0 : i32
    %dma_wait3A_700 = tpu.memref_slice %arg3[%add3A_688, %dma_wait3A_699] : memref<3584x4096xf32, #tpu.memory_space<hbm>> -> memref<8x4096xf32, #tpu.memory_space<hbm>>
    %dma_wait3A_701 = arith.constant 0 : i32
    %dma_wait3A_702 = arith.constant 0 : i32
    %dma_wait3A_703 = tpu.memref_slice %arg4[%dma_wait3A_689, %dma_wait3A_701, %dma_wait3A_702] : memref<2x8x4096xf32, #tpu.memory_space<vmem>> -> memref<1x8x4096xf32, #tpu.memory_space<vmem>>
    %dma_wait3A_704 = tpu.memref_squeeze %dma_wait3A_703 : memref<1x8x4096xf32, #tpu.memory_space<vmem>> -> memref<8x4096xf32, #tpu.memory_space<vmem>>
    tpu.wait_dma2 semaphore(%dma_wait3A_698 : memref<!tpu.dma_semaphore, #tpu.memory_space<semaphore_mem>>) src(%dma_wait3A_704 : memref<8x4096xf32, #tpu.memory_space<vmem>>) dst(%dma_wait3A_700 : memref<8x4096xf32, #tpu.memory_space<hbm>>)
    %add3A_705 = arith.constant 4608 : i32
    %add3A_706 = arith.addi %add3A_705, %mul3A_2 : i32
    %add3A_707 = arith.constant 80 : i32
    %add3A_708 = arith.addi %add3A_706, %add3A_707 : i32
    %dma_start3A_709 = arith.constant 0 : i32
    %dma_start3A_710 = arith.constant 0 : i32
    %dma_start3A_711 = arith.constant 0 : i32
    %dma_start3A_712 = arith.constant 0 : i32
    %dma_start3A_713 = tpu.memref_slice %arg4[%dma_start3A_709, %dma_start3A_711, %dma_start3A_712] : memref<2x8x4096xf32, #tpu.memory_space<vmem>> -> memref<1x8x4096xf32, #tpu.memory_space<vmem>>
    %dma_start3A_714 = tpu.memref_squeeze %dma_start3A_713 : memref<1x8x4096xf32, #tpu.memory_space<vmem>> -> memref<8x4096xf32, #tpu.memory_space<vmem>>
    %dma_start3A_715 = arith.constant 0 : i32
    %dma_start3A_716 = tpu.memref_slice %arg2[%add3A_708, %dma_start3A_715] : memref<8192x4096xf32, #tpu.memory_space<hbm>> -> memref<8x4096xf32, #tpu.memory_space<hbm>>
    %dma_start3A_717 = tpu.memref_slice %arg5[%dma_start3A_710] : memref<2x!tpu.dma_semaphore, #tpu.memory_space<semaphore_mem>> -> memref<1x!tpu.dma_semaphore, #tpu.memory_space<semaphore_mem>>
    %dma_start3A_718 = tpu.memref_squeeze %dma_start3A_717 : memref<1x!tpu.dma_semaphore, #tpu.memory_space<semaphore_mem>> -> memref<!tpu.dma_semaphore, #tpu.memory_space<semaphore_mem>>
    %dma_start3A_719 = arith.constant 0 : i32
    %dma_start3A_720 = arith.constant 0 : i32
    %dma_start3A_721 = tpu.memref_slice %arg4[%dma_start3A_709, %dma_start3A_719, %dma_start3A_720] : memref<2x8x4096xf32, #tpu.memory_space<vmem>> -> memref<1x8x4096xf32, #tpu.memory_space<vmem>>
    %dma_start3A_722 = tpu.memref_squeeze %dma_start3A_721 : memref<1x8x4096xf32, #tpu.memory_space<vmem>> -> memref<8x4096xf32, #tpu.memory_space<vmem>>
    %dma_start3A_723 = arith.constant 0 : i32
    %dma_start3A_724 = tpu.memref_slice %arg2[%add3A_708, %dma_start3A_723] : memref<8192x4096xf32, #tpu.memory_space<hbm>> -> memref<8x4096xf32, #tpu.memory_space<hbm>>
    tpu.enqueue_dma source(%dma_start3A_724 : memref<8x4096xf32, #tpu.memory_space<hbm>>) target(%dma_start3A_722 : memref<8x4096xf32, #tpu.memory_space<vmem>>) target_semaphore(%dma_start3A_718 : memref<!tpu.dma_semaphore, #tpu.memory_space<semaphore_mem>>)
    %add3A_725 = arith.constant 4608 : i32
    %add3A_726 = arith.addi %add3A_725, %mul3A_2 : i32
    %add3A_727 = arith.constant 72 : i32
    %add3A_728 = arith.addi %add3A_726, %add3A_727 : i32
    %dma_wait3A_729 = arith.constant 1 : i32
    %dma_wait3A_730 = arith.constant 1 : i32
    %dma_wait3A_731 = arith.constant 0 : i32
    %dma_wait3A_732 = arith.constant 0 : i32
    %dma_wait3A_733 = tpu.memref_slice %arg4[%dma_wait3A_729, %dma_wait3A_731, %dma_wait3A_732] : memref<2x8x4096xf32, #tpu.memory_space<vmem>> -> memref<1x8x4096xf32, #tpu.memory_space<vmem>>
    %dma_wait3A_734 = tpu.memref_squeeze %dma_wait3A_733 : memref<1x8x4096xf32, #tpu.memory_space<vmem>> -> memref<8x4096xf32, #tpu.memory_space<vmem>>
    %dma_wait3A_735 = arith.constant 0 : i32
    %dma_wait3A_736 = tpu.memref_slice %arg2[%add3A_728, %dma_wait3A_735] : memref<8192x4096xf32, #tpu.memory_space<hbm>> -> memref<8x4096xf32, #tpu.memory_space<hbm>>
    %dma_wait3A_737 = tpu.memref_slice %arg5[%dma_wait3A_730] : memref<2x!tpu.dma_semaphore, #tpu.memory_space<semaphore_mem>> -> memref<1x!tpu.dma_semaphore, #tpu.memory_space<semaphore_mem>>
    %dma_wait3A_738 = tpu.memref_squeeze %dma_wait3A_737 : memref<1x!tpu.dma_semaphore, #tpu.memory_space<semaphore_mem>> -> memref<!tpu.dma_semaphore, #tpu.memory_space<semaphore_mem>>
    %dma_wait3A_739 = arith.constant 0 : i32
    %dma_wait3A_740 = arith.constant 0 : i32
    %dma_wait3A_741 = tpu.memref_slice %arg4[%dma_wait3A_729, %dma_wait3A_739, %dma_wait3A_740] : memref<2x8x4096xf32, #tpu.memory_space<vmem>> -> memref<1x8x4096xf32, #tpu.memory_space<vmem>>
    %dma_wait3A_742 = tpu.memref_squeeze %dma_wait3A_741 : memref<1x8x4096xf32, #tpu.memory_space<vmem>> -> memref<8x4096xf32, #tpu.memory_space<vmem>>
    %dma_wait3A_743 = arith.constant 0 : i32
    %dma_wait3A_744 = tpu.memref_slice %arg2[%add3A_728, %dma_wait3A_743] : memref<8192x4096xf32, #tpu.memory_space<hbm>> -> memref<8x4096xf32, #tpu.memory_space<hbm>>
    tpu.wait_dma2 semaphore(%dma_wait3A_738 : memref<!tpu.dma_semaphore, #tpu.memory_space<semaphore_mem>>) src(%dma_wait3A_744 : memref<8x4096xf32, #tpu.memory_space<hbm>>) dst(%dma_wait3A_742 : memref<8x4096xf32, #tpu.memory_space<vmem>>)
    %add3A_745 = arith.constant 72 : i32
    %add3A_746 = arith.addi %mul3A_2, %add3A_745 : i32
    %dma_start3A_747 = arith.constant 1 : i32
    %dma_start3A_748 = arith.constant 1 : i32
    %dma_start3A_749 = arith.constant 0 : i32
    %dma_start3A_750 = arith.constant 0 : i32
    %dma_start3A_751 = tpu.memref_slice %arg4[%dma_start3A_747, %dma_start3A_749, %dma_start3A_750] : memref<2x8x4096xf32, #tpu.memory_space<vmem>> -> memref<1x8x4096xf32, #tpu.memory_space<vmem>>
    %dma_start3A_752 = tpu.memref_squeeze %dma_start3A_751 : memref<1x8x4096xf32, #tpu.memory_space<vmem>> -> memref<8x4096xf32, #tpu.memory_space<vmem>>
    %dma_start3A_753 = arith.constant 0 : i32
    %dma_start3A_754 = tpu.memref_slice %arg3[%add3A_746, %dma_start3A_753] : memref<3584x4096xf32, #tpu.memory_space<hbm>> -> memref<8x4096xf32, #tpu.memory_space<hbm>>
    %dma_start3A_755 = tpu.memref_slice %arg6[%dma_start3A_748] : memref<2x!tpu.dma_semaphore, #tpu.memory_space<semaphore_mem>> -> memref<1x!tpu.dma_semaphore, #tpu.memory_space<semaphore_mem>>
    %dma_start3A_756 = tpu.memref_squeeze %dma_start3A_755 : memref<1x!tpu.dma_semaphore, #tpu.memory_space<semaphore_mem>> -> memref<!tpu.dma_semaphore, #tpu.memory_space<semaphore_mem>>
    %dma_start3A_757 = arith.constant 0 : i32
    %dma_start3A_758 = tpu.memref_slice %arg3[%add3A_746, %dma_start3A_757] : memref<3584x4096xf32, #tpu.memory_space<hbm>> -> memref<8x4096xf32, #tpu.memory_space<hbm>>
    %dma_start3A_759 = arith.constant 0 : i32
    %dma_start3A_760 = arith.constant 0 : i32
    %dma_start3A_761 = tpu.memref_slice %arg4[%dma_start3A_747, %dma_start3A_759, %dma_start3A_760] : memref<2x8x4096xf32, #tpu.memory_space<vmem>> -> memref<1x8x4096xf32, #tpu.memory_space<vmem>>
    %dma_start3A_762 = tpu.memref_squeeze %dma_start3A_761 : memref<1x8x4096xf32, #tpu.memory_space<vmem>> -> memref<8x4096xf32, #tpu.memory_space<vmem>>
    tpu.enqueue_dma source(%dma_start3A_762 : memref<8x4096xf32, #tpu.memory_space<vmem>>) target(%dma_start3A_758 : memref<8x4096xf32, #tpu.memory_space<hbm>>) target_semaphore(%dma_start3A_756 : memref<!tpu.dma_semaphore, #tpu.memory_space<semaphore_mem>>)
    %add3A_763 = arith.constant 72 : i32
    %add3A_764 = arith.addi %mul3A_2, %add3A_763 : i32
    %dma_wait3A_765 = arith.constant 1 : i32
    %dma_wait3A_766 = arith.constant 1 : i32
    %dma_wait3A_767 = arith.constant 0 : i32
    %dma_wait3A_768 = arith.constant 0 : i32
    %dma_wait3A_769 = tpu.memref_slice %arg4[%dma_wait3A_765, %dma_wait3A_767, %dma_wait3A_768] : memref<2x8x4096xf32, #tpu.memory_space<vmem>> -> memref<1x8x4096xf32, #tpu.memory_space<vmem>>
    %dma_wait3A_770 = tpu.memref_squeeze %dma_wait3A_769 : memref<1x8x4096xf32, #tpu.memory_space<vmem>> -> memref<8x4096xf32, #tpu.memory_space<vmem>>
    %dma_wait3A_771 = arith.constant 0 : i32
    %dma_wait3A_772 = tpu.memref_slice %arg3[%add3A_764, %dma_wait3A_771] : memref<3584x4096xf32, #tpu.memory_space<hbm>> -> memref<8x4096xf32, #tpu.memory_space<hbm>>
    %dma_wait3A_773 = tpu.memref_slice %arg6[%dma_wait3A_766] : memref<2x!tpu.dma_semaphore, #tpu.memory_space<semaphore_mem>> -> memref<1x!tpu.dma_semaphore, #tpu.memory_space<semaphore_mem>>
    %dma_wait3A_774 = tpu.memref_squeeze %dma_wait3A_773 : memref<1x!tpu.dma_semaphore, #tpu.memory_space<semaphore_mem>> -> memref<!tpu.dma_semaphore, #tpu.memory_space<semaphore_mem>>
    %dma_wait3A_775 = arith.constant 0 : i32
    %dma_wait3A_776 = tpu.memref_slice %arg3[%add3A_764, %dma_wait3A_775] : memref<3584x4096xf32, #tpu.memory_space<hbm>> -> memref<8x4096xf32, #tpu.memory_space<hbm>>
    %dma_wait3A_777 = arith.constant 0 : i32
    %dma_wait3A_778 = arith.constant 0 : i32
    %dma_wait3A_779 = tpu.memref_slice %arg4[%dma_wait3A_765, %dma_wait3A_777, %dma_wait3A_778] : memref<2x8x4096xf32, #tpu.memory_space<vmem>> -> memref<1x8x4096xf32, #tpu.memory_space<vmem>>
    %dma_wait3A_780 = tpu.memref_squeeze %dma_wait3A_779 : memref<1x8x4096xf32, #tpu.memory_space<vmem>> -> memref<8x4096xf32, #tpu.memory_space<vmem>>
    tpu.wait_dma2 semaphore(%dma_wait3A_774 : memref<!tpu.dma_semaphore, #tpu.memory_space<semaphore_mem>>) src(%dma_wait3A_780 : memref<8x4096xf32, #tpu.memory_space<vmem>>) dst(%dma_wait3A_776 : memref<8x4096xf32, #tpu.memory_space<hbm>>)
    %add3A_781 = arith.constant 4608 : i32
    %add3A_782 = arith.addi %add3A_781, %mul3A_2 : i32
    %add3A_783 = arith.constant 88 : i32
    %add3A_784 = arith.addi %add3A_782, %add3A_783 : i32
    %dma_start3A_785 = arith.constant 1 : i32
    %dma_start3A_786 = arith.constant 1 : i32
    %dma_start3A_787 = arith.constant 0 : i32
    %dma_start3A_788 = arith.constant 0 : i32
    %dma_start3A_789 = tpu.memref_slice %arg4[%dma_start3A_785, %dma_start3A_787, %dma_start3A_788] : memref<2x8x4096xf32, #tpu.memory_space<vmem>> -> memref<1x8x4096xf32, #tpu.memory_space<vmem>>
    %dma_start3A_790 = tpu.memref_squeeze %dma_start3A_789 : memref<1x8x4096xf32, #tpu.memory_space<vmem>> -> memref<8x4096xf32, #tpu.memory_space<vmem>>
    %dma_start3A_791 = arith.constant 0 : i32
    %dma_start3A_792 = tpu.memref_slice %arg2[%add3A_784, %dma_start3A_791] : memref<8192x4096xf32, #tpu.memory_space<hbm>> -> memref<8x4096xf32, #tpu.memory_space<hbm>>
    %dma_start3A_793 = tpu.memref_slice %arg5[%dma_start3A_786] : memref<2x!tpu.dma_semaphore, #tpu.memory_space<semaphore_mem>> -> memref<1x!tpu.dma_semaphore, #tpu.memory_space<semaphore_mem>>
    %dma_start3A_794 = tpu.memref_squeeze %dma_start3A_793 : memref<1x!tpu.dma_semaphore, #tpu.memory_space<semaphore_mem>> -> memref<!tpu.dma_semaphore, #tpu.memory_space<semaphore_mem>>
    %dma_start3A_795 = arith.constant 0 : i32
    %dma_start3A_796 = arith.constant 0 : i32
    %dma_start3A_797 = tpu.memref_slice %arg4[%dma_start3A_785, %dma_start3A_795, %dma_start3A_796] : memref<2x8x4096xf32, #tpu.memory_space<vmem>> -> memref<1x8x4096xf32, #tpu.memory_space<vmem>>
    %dma_start3A_798 = tpu.memref_squeeze %dma_start3A_797 : memref<1x8x4096xf32, #tpu.memory_space<vmem>> -> memref<8x4096xf32, #tpu.memory_space<vmem>>
    %dma_start3A_799 = arith.constant 0 : i32
    %dma_start3A_800 = tpu.memref_slice %arg2[%add3A_784, %dma_start3A_799] : memref<8192x4096xf32, #tpu.memory_space<hbm>> -> memref<8x4096xf32, #tpu.memory_space<hbm>>
    tpu.enqueue_dma source(%dma_start3A_800 : memref<8x4096xf32, #tpu.memory_space<hbm>>) target(%dma_start3A_798 : memref<8x4096xf32, #tpu.memory_space<vmem>>) target_semaphore(%dma_start3A_794 : memref<!tpu.dma_semaphore, #tpu.memory_space<semaphore_mem>>)
    %add3A_801 = arith.constant 4608 : i32
    %add3A_802 = arith.addi %add3A_801, %mul3A_2 : i32
    %add3A_803 = arith.constant 80 : i32
    %add3A_804 = arith.addi %add3A_802, %add3A_803 : i32
    %dma_wait3A_805 = arith.constant 0 : i32
    %dma_wait3A_806 = arith.constant 0 : i32
    %dma_wait3A_807 = arith.constant 0 : i32
    %dma_wait3A_808 = arith.constant 0 : i32
    %dma_wait3A_809 = tpu.memref_slice %arg4[%dma_wait3A_805, %dma_wait3A_807, %dma_wait3A_808] : memref<2x8x4096xf32, #tpu.memory_space<vmem>> -> memref<1x8x4096xf32, #tpu.memory_space<vmem>>
    %dma_wait3A_810 = tpu.memref_squeeze %dma_wait3A_809 : memref<1x8x4096xf32, #tpu.memory_space<vmem>> -> memref<8x4096xf32, #tpu.memory_space<vmem>>
    %dma_wait3A_811 = arith.constant 0 : i32
    %dma_wait3A_812 = tpu.memref_slice %arg2[%add3A_804, %dma_wait3A_811] : memref<8192x4096xf32, #tpu.memory_space<hbm>> -> memref<8x4096xf32, #tpu.memory_space<hbm>>
    %dma_wait3A_813 = tpu.memref_slice %arg5[%dma_wait3A_806] : memref<2x!tpu.dma_semaphore, #tpu.memory_space<semaphore_mem>> -> memref<1x!tpu.dma_semaphore, #tpu.memory_space<semaphore_mem>>
    %dma_wait3A_814 = tpu.memref_squeeze %dma_wait3A_813 : memref<1x!tpu.dma_semaphore, #tpu.memory_space<semaphore_mem>> -> memref<!tpu.dma_semaphore, #tpu.memory_space<semaphore_mem>>
    %dma_wait3A_815 = arith.constant 0 : i32
    %dma_wait3A_816 = arith.constant 0 : i32
    %dma_wait3A_817 = tpu.memref_slice %arg4[%dma_wait3A_805, %dma_wait3A_815, %dma_wait3A_816] : memref<2x8x4096xf32, #tpu.memory_space<vmem>> -> memref<1x8x4096xf32, #tpu.memory_space<vmem>>
    %dma_wait3A_818 = tpu.memref_squeeze %dma_wait3A_817 : memref<1x8x4096xf32, #tpu.memory_space<vmem>> -> memref<8x4096xf32, #tpu.memory_space<vmem>>
    %dma_wait3A_819 = arith.constant 0 : i32
    %dma_wait3A_820 = tpu.memref_slice %arg2[%add3A_804, %dma_wait3A_819] : memref<8192x4096xf32, #tpu.memory_space<hbm>> -> memref<8x4096xf32, #tpu.memory_space<hbm>>
    tpu.wait_dma2 semaphore(%dma_wait3A_814 : memref<!tpu.dma_semaphore, #tpu.memory_space<semaphore_mem>>) src(%dma_wait3A_820 : memref<8x4096xf32, #tpu.memory_space<hbm>>) dst(%dma_wait3A_818 : memref<8x4096xf32, #tpu.memory_space<vmem>>)
    %add3A_821 = arith.constant 80 : i32
    %add3A_822 = arith.addi %mul3A_2, %add3A_821 : i32
    %dma_start3A_823 = arith.constant 0 : i32
    %dma_start3A_824 = arith.constant 0 : i32
    %dma_start3A_825 = arith.constant 0 : i32
    %dma_start3A_826 = arith.constant 0 : i32
    %dma_start3A_827 = tpu.memref_slice %arg4[%dma_start3A_823, %dma_start3A_825, %dma_start3A_826] : memref<2x8x4096xf32, #tpu.memory_space<vmem>> -> memref<1x8x4096xf32, #tpu.memory_space<vmem>>
    %dma_start3A_828 = tpu.memref_squeeze %dma_start3A_827 : memref<1x8x4096xf32, #tpu.memory_space<vmem>> -> memref<8x4096xf32, #tpu.memory_space<vmem>>
    %dma_start3A_829 = arith.constant 0 : i32
    %dma_start3A_830 = tpu.memref_slice %arg3[%add3A_822, %dma_start3A_829] : memref<3584x4096xf32, #tpu.memory_space<hbm>> -> memref<8x4096xf32, #tpu.memory_space<hbm>>
    %dma_start3A_831 = tpu.memref_slice %arg6[%dma_start3A_824] : memref<2x!tpu.dma_semaphore, #tpu.memory_space<semaphore_mem>> -> memref<1x!tpu.dma_semaphore, #tpu.memory_space<semaphore_mem>>
    %dma_start3A_832 = tpu.memref_squeeze %dma_start3A_831 : memref<1x!tpu.dma_semaphore, #tpu.memory_space<semaphore_mem>> -> memref<!tpu.dma_semaphore, #tpu.memory_space<semaphore_mem>>
    %dma_start3A_833 = arith.constant 0 : i32
    %dma_start3A_834 = tpu.memref_slice %arg3[%add3A_822, %dma_start3A_833] : memref<3584x4096xf32, #tpu.memory_space<hbm>> -> memref<8x4096xf32, #tpu.memory_space<hbm>>
    %dma_start3A_835 = arith.constant 0 : i32
    %dma_start3A_836 = arith.constant 0 : i32
    %dma_start3A_837 = tpu.memref_slice %arg4[%dma_start3A_823, %dma_start3A_835, %dma_start3A_836] : memref<2x8x4096xf32, #tpu.memory_space<vmem>> -> memref<1x8x4096xf32, #tpu.memory_space<vmem>>
    %dma_start3A_838 = tpu.memref_squeeze %dma_start3A_837 : memref<1x8x4096xf32, #tpu.memory_space<vmem>> -> memref<8x4096xf32, #tpu.memory_space<vmem>>
    tpu.enqueue_dma source(%dma_start3A_838 : memref<8x4096xf32, #tpu.memory_space<vmem>>) target(%dma_start3A_834 : memref<8x4096xf32, #tpu.memory_space<hbm>>) target_semaphore(%dma_start3A_832 : memref<!tpu.dma_semaphore, #tpu.memory_space<semaphore_mem>>)
    %add3A_839 = arith.constant 80 : i32
    %add3A_840 = arith.addi %mul3A_2, %add3A_839 : i32
    %dma_wait3A_841 = arith.constant 0 : i32
    %dma_wait3A_842 = arith.constant 0 : i32
    %dma_wait3A_843 = arith.constant 0 : i32
    %dma_wait3A_844 = arith.constant 0 : i32
    %dma_wait3A_845 = tpu.memref_slice %arg4[%dma_wait3A_841, %dma_wait3A_843, %dma_wait3A_844] : memref<2x8x4096xf32, #tpu.memory_space<vmem>> -> memref<1x8x4096xf32, #tpu.memory_space<vmem>>
    %dma_wait3A_846 = tpu.memref_squeeze %dma_wait3A_845 : memref<1x8x4096xf32, #tpu.memory_space<vmem>> -> memref<8x4096xf32, #tpu.memory_space<vmem>>
    %dma_wait3A_847 = arith.constant 0 : i32
    %dma_wait3A_848 = tpu.memref_slice %arg3[%add3A_840, %dma_wait3A_847] : memref<3584x4096xf32, #tpu.memory_space<hbm>> -> memref<8x4096xf32, #tpu.memory_space<hbm>>
    %dma_wait3A_849 = tpu.memref_slice %arg6[%dma_wait3A_842] : memref<2x!tpu.dma_semaphore, #tpu.memory_space<semaphore_mem>> -> memref<1x!tpu.dma_semaphore, #tpu.memory_space<semaphore_mem>>
    %dma_wait3A_850 = tpu.memref_squeeze %dma_wait3A_849 : memref<1x!tpu.dma_semaphore, #tpu.memory_space<semaphore_mem>> -> memref<!tpu.dma_semaphore, #tpu.memory_space<semaphore_mem>>
    %dma_wait3A_851 = arith.constant 0 : i32
    %dma_wait3A_852 = tpu.memref_slice %arg3[%add3A_840, %dma_wait3A_851] : memref<3584x4096xf32, #tpu.memory_space<hbm>> -> memref<8x4096xf32, #tpu.memory_space<hbm>>
    %dma_wait3A_853 = arith.constant 0 : i32
    %dma_wait3A_854 = arith.constant 0 : i32
    %dma_wait3A_855 = tpu.memref_slice %arg4[%dma_wait3A_841, %dma_wait3A_853, %dma_wait3A_854] : memref<2x8x4096xf32, #tpu.memory_space<vmem>> -> memref<1x8x4096xf32, #tpu.memory_space<vmem>>
    %dma_wait3A_856 = tpu.memref_squeeze %dma_wait3A_855 : memref<1x8x4096xf32, #tpu.memory_space<vmem>> -> memref<8x4096xf32, #tpu.memory_space<vmem>>
    tpu.wait_dma2 semaphore(%dma_wait3A_850 : memref<!tpu.dma_semaphore, #tpu.memory_space<semaphore_mem>>) src(%dma_wait3A_856 : memref<8x4096xf32, #tpu.memory_space<vmem>>) dst(%dma_wait3A_852 : memref<8x4096xf32, #tpu.memory_space<hbm>>)
    %add3A_857 = arith.constant 4608 : i32
    %add3A_858 = arith.addi %add3A_857, %mul3A_2 : i32
    %add3A_859 = arith.constant 96 : i32
    %add3A_860 = arith.addi %add3A_858, %add3A_859 : i32
    %dma_start3A_861 = arith.constant 0 : i32
    %dma_start3A_862 = arith.constant 0 : i32
    %dma_start3A_863 = arith.constant 0 : i32
    %dma_start3A_864 = arith.constant 0 : i32
    %dma_start3A_865 = tpu.memref_slice %arg4[%dma_start3A_861, %dma_start3A_863, %dma_start3A_864] : memref<2x8x4096xf32, #tpu.memory_space<vmem>> -> memref<1x8x4096xf32, #tpu.memory_space<vmem>>
    %dma_start3A_866 = tpu.memref_squeeze %dma_start3A_865 : memref<1x8x4096xf32, #tpu.memory_space<vmem>> -> memref<8x4096xf32, #tpu.memory_space<vmem>>
    %dma_start3A_867 = arith.constant 0 : i32
    %dma_start3A_868 = tpu.memref_slice %arg2[%add3A_860, %dma_start3A_867] : memref<8192x4096xf32, #tpu.memory_space<hbm>> -> memref<8x4096xf32, #tpu.memory_space<hbm>>
    %dma_start3A_869 = tpu.memref_slice %arg5[%dma_start3A_862] : memref<2x!tpu.dma_semaphore, #tpu.memory_space<semaphore_mem>> -> memref<1x!tpu.dma_semaphore, #tpu.memory_space<semaphore_mem>>
    %dma_start3A_870 = tpu.memref_squeeze %dma_start3A_869 : memref<1x!tpu.dma_semaphore, #tpu.memory_space<semaphore_mem>> -> memref<!tpu.dma_semaphore, #tpu.memory_space<semaphore_mem>>
    %dma_start3A_871 = arith.constant 0 : i32
    %dma_start3A_872 = arith.constant 0 : i32
    %dma_start3A_873 = tpu.memref_slice %arg4[%dma_start3A_861, %dma_start3A_871, %dma_start3A_872] : memref<2x8x4096xf32, #tpu.memory_space<vmem>> -> memref<1x8x4096xf32, #tpu.memory_space<vmem>>
    %dma_start3A_874 = tpu.memref_squeeze %dma_start3A_873 : memref<1x8x4096xf32, #tpu.memory_space<vmem>> -> memref<8x4096xf32, #tpu.memory_space<vmem>>
    %dma_start3A_875 = arith.constant 0 : i32
    %dma_start3A_876 = tpu.memref_slice %arg2[%add3A_860, %dma_start3A_875] : memref<8192x4096xf32, #tpu.memory_space<hbm>> -> memref<8x4096xf32, #tpu.memory_space<hbm>>
    tpu.enqueue_dma source(%dma_start3A_876 : memref<8x4096xf32, #tpu.memory_space<hbm>>) target(%dma_start3A_874 : memref<8x4096xf32, #tpu.memory_space<vmem>>) target_semaphore(%dma_start3A_870 : memref<!tpu.dma_semaphore, #tpu.memory_space<semaphore_mem>>)
    %add3A_877 = arith.constant 4608 : i32
    %add3A_878 = arith.addi %add3A_877, %mul3A_2 : i32
    %add3A_879 = arith.constant 88 : i32
    %add3A_880 = arith.addi %add3A_878, %add3A_879 : i32
    %dma_wait3A_881 = arith.constant 1 : i32
    %dma_wait3A_882 = arith.constant 1 : i32
    %dma_wait3A_883 = arith.constant 0 : i32
    %dma_wait3A_884 = arith.constant 0 : i32
    %dma_wait3A_885 = tpu.memref_slice %arg4[%dma_wait3A_881, %dma_wait3A_883, %dma_wait3A_884] : memref<2x8x4096xf32, #tpu.memory_space<vmem>> -> memref<1x8x4096xf32, #tpu.memory_space<vmem>>
    %dma_wait3A_886 = tpu.memref_squeeze %dma_wait3A_885 : memref<1x8x4096xf32, #tpu.memory_space<vmem>> -> memref<8x4096xf32, #tpu.memory_space<vmem>>
    %dma_wait3A_887 = arith.constant 0 : i32
    %dma_wait3A_888 = tpu.memref_slice %arg2[%add3A_880, %dma_wait3A_887] : memref<8192x4096xf32, #tpu.memory_space<hbm>> -> memref<8x4096xf32, #tpu.memory_space<hbm>>
    %dma_wait3A_889 = tpu.memref_slice %arg5[%dma_wait3A_882] : memref<2x!tpu.dma_semaphore, #tpu.memory_space<semaphore_mem>> -> memref<1x!tpu.dma_semaphore, #tpu.memory_space<semaphore_mem>>
    %dma_wait3A_890 = tpu.memref_squeeze %dma_wait3A_889 : memref<1x!tpu.dma_semaphore, #tpu.memory_space<semaphore_mem>> -> memref<!tpu.dma_semaphore, #tpu.memory_space<semaphore_mem>>
    %dma_wait3A_891 = arith.constant 0 : i32
    %dma_wait3A_892 = arith.constant 0 : i32
    %dma_wait3A_893 = tpu.memref_slice %arg4[%dma_wait3A_881, %dma_wait3A_891, %dma_wait3A_892] : memref<2x8x4096xf32, #tpu.memory_space<vmem>> -> memref<1x8x4096xf32, #tpu.memory_space<vmem>>
    %dma_wait3A_894 = tpu.memref_squeeze %dma_wait3A_893 : memref<1x8x4096xf32, #tpu.memory_space<vmem>> -> memref<8x4096xf32, #tpu.memory_space<vmem>>
    %dma_wait3A_895 = arith.constant 0 : i32
    %dma_wait3A_896 = tpu.memref_slice %arg2[%add3A_880, %dma_wait3A_895] : memref<8192x4096xf32, #tpu.memory_space<hbm>> -> memref<8x4096xf32, #tpu.memory_space<hbm>>
    tpu.wait_dma2 semaphore(%dma_wait3A_890 : memref<!tpu.dma_semaphore, #tpu.memory_space<semaphore_mem>>) src(%dma_wait3A_896 : memref<8x4096xf32, #tpu.memory_space<hbm>>) dst(%dma_wait3A_894 : memref<8x4096xf32, #tpu.memory_space<vmem>>)
    %add3A_897 = arith.constant 88 : i32
    %add3A_898 = arith.addi %mul3A_2, %add3A_897 : i32
    %dma_start3A_899 = arith.constant 1 : i32
    %dma_start3A_900 = arith.constant 1 : i32
    %dma_start3A_901 = arith.constant 0 : i32
    %dma_start3A_902 = arith.constant 0 : i32
    %dma_start3A_903 = tpu.memref_slice %arg4[%dma_start3A_899, %dma_start3A_901, %dma_start3A_902] : memref<2x8x4096xf32, #tpu.memory_space<vmem>> -> memref<1x8x4096xf32, #tpu.memory_space<vmem>>
    %dma_start3A_904 = tpu.memref_squeeze %dma_start3A_903 : memref<1x8x4096xf32, #tpu.memory_space<vmem>> -> memref<8x4096xf32, #tpu.memory_space<vmem>>
    %dma_start3A_905 = arith.constant 0 : i32
    %dma_start3A_906 = tpu.memref_slice %arg3[%add3A_898, %dma_start3A_905] : memref<3584x4096xf32, #tpu.memory_space<hbm>> -> memref<8x4096xf32, #tpu.memory_space<hbm>>
    %dma_start3A_907 = tpu.memref_slice %arg6[%dma_start3A_900] : memref<2x!tpu.dma_semaphore, #tpu.memory_space<semaphore_mem>> -> memref<1x!tpu.dma_semaphore, #tpu.memory_space<semaphore_mem>>
    %dma_start3A_908 = tpu.memref_squeeze %dma_start3A_907 : memref<1x!tpu.dma_semaphore, #tpu.memory_space<semaphore_mem>> -> memref<!tpu.dma_semaphore, #tpu.memory_space<semaphore_mem>>
    %dma_start3A_909 = arith.constant 0 : i32
    %dma_start3A_910 = tpu.memref_slice %arg3[%add3A_898, %dma_start3A_909] : memref<3584x4096xf32, #tpu.memory_space<hbm>> -> memref<8x4096xf32, #tpu.memory_space<hbm>>
    %dma_start3A_911 = arith.constant 0 : i32
    %dma_start3A_912 = arith.constant 0 : i32
    %dma_start3A_913 = tpu.memref_slice %arg4[%dma_start3A_899, %dma_start3A_911, %dma_start3A_912] : memref<2x8x4096xf32, #tpu.memory_space<vmem>> -> memref<1x8x4096xf32, #tpu.memory_space<vmem>>
    %dma_start3A_914 = tpu.memref_squeeze %dma_start3A_913 : memref<1x8x4096xf32, #tpu.memory_space<vmem>> -> memref<8x4096xf32, #tpu.memory_space<vmem>>
    tpu.enqueue_dma source(%dma_start3A_914 : memref<8x4096xf32, #tpu.memory_space<vmem>>) target(%dma_start3A_910 : memref<8x4096xf32, #tpu.memory_space<hbm>>) target_semaphore(%dma_start3A_908 : memref<!tpu.dma_semaphore, #tpu.memory_space<semaphore_mem>>)
    %add3A_915 = arith.constant 88 : i32
    %add3A_916 = arith.addi %mul3A_2, %add3A_915 : i32
    %dma_wait3A_917 = arith.constant 1 : i32
    %dma_wait3A_918 = arith.constant 1 : i32
    %dma_wait3A_919 = arith.constant 0 : i32
    %dma_wait3A_920 = arith.constant 0 : i32
    %dma_wait3A_921 = tpu.memref_slice %arg4[%dma_wait3A_917, %dma_wait3A_919, %dma_wait3A_920] : memref<2x8x4096xf32, #tpu.memory_space<vmem>> -> memref<1x8x4096xf32, #tpu.memory_space<vmem>>
    %dma_wait3A_922 = tpu.memref_squeeze %dma_wait3A_921 : memref<1x8x4096xf32, #tpu.memory_space<vmem>> -> memref<8x4096xf32, #tpu.memory_space<vmem>>
    %dma_wait3A_923 = arith.constant 0 : i32
    %dma_wait3A_924 = tpu.memref_slice %arg3[%add3A_916, %dma_wait3A_923] : memref<3584x4096xf32, #tpu.memory_space<hbm>> -> memref<8x4096xf32, #tpu.memory_space<hbm>>
    %dma_wait3A_925 = tpu.memref_slice %arg6[%dma_wait3A_918] : memref<2x!tpu.dma_semaphore, #tpu.memory_space<semaphore_mem>> -> memref<1x!tpu.dma_semaphore, #tpu.memory_space<semaphore_mem>>
    %dma_wait3A_926 = tpu.memref_squeeze %dma_wait3A_925 : memref<1x!tpu.dma_semaphore, #tpu.memory_space<semaphore_mem>> -> memref<!tpu.dma_semaphore, #tpu.memory_space<semaphore_mem>>
    %dma_wait3A_927 = arith.constant 0 : i32
    %dma_wait3A_928 = tpu.memref_slice %arg3[%add3A_916, %dma_wait3A_927] : memref<3584x4096xf32, #tpu.memory_space<hbm>> -> memref<8x4096xf32, #tpu.memory_space<hbm>>
    %dma_wait3A_929 = arith.constant 0 : i32
    %dma_wait3A_930 = arith.constant 0 : i32
    %dma_wait3A_931 = tpu.memref_slice %arg4[%dma_wait3A_917, %dma_wait3A_929, %dma_wait3A_930] : memref<2x8x4096xf32, #tpu.memory_space<vmem>> -> memref<1x8x4096xf32, #tpu.memory_space<vmem>>
    %dma_wait3A_932 = tpu.memref_squeeze %dma_wait3A_931 : memref<1x8x4096xf32, #tpu.memory_space<vmem>> -> memref<8x4096xf32, #tpu.memory_space<vmem>>
    tpu.wait_dma2 semaphore(%dma_wait3A_926 : memref<!tpu.dma_semaphore, #tpu.memory_space<semaphore_mem>>) src(%dma_wait3A_932 : memref<8x4096xf32, #tpu.memory_space<vmem>>) dst(%dma_wait3A_928 : memref<8x4096xf32, #tpu.memory_space<hbm>>)
    %add3A_933 = arith.constant 4608 : i32
    %add3A_934 = arith.addi %add3A_933, %mul3A_2 : i32
    %add3A_935 = arith.constant 104 : i32
    %add3A_936 = arith.addi %add3A_934, %add3A_935 : i32
    %dma_start3A_937 = arith.constant 1 : i32
    %dma_start3A_938 = arith.constant 1 : i32
    %dma_start3A_939 = arith.constant 0 : i32
    %dma_start3A_940 = arith.constant 0 : i32
    %dma_start3A_941 = tpu.memref_slice %arg4[%dma_start3A_937, %dma_start3A_939, %dma_start3A_940] : memref<2x8x4096xf32, #tpu.memory_space<vmem>> -> memref<1x8x4096xf32, #tpu.memory_space<vmem>>
    %dma_start3A_942 = tpu.memref_squeeze %dma_start3A_941 : memref<1x8x4096xf32, #tpu.memory_space<vmem>> -> memref<8x4096xf32, #tpu.memory_space<vmem>>
    %dma_start3A_943 = arith.constant 0 : i32
    %dma_start3A_944 = tpu.memref_slice %arg2[%add3A_936, %dma_start3A_943] : memref<8192x4096xf32, #tpu.memory_space<hbm>> -> memref<8x4096xf32, #tpu.memory_space<hbm>>
    %dma_start3A_945 = tpu.memref_slice %arg5[%dma_start3A_938] : memref<2x!tpu.dma_semaphore, #tpu.memory_space<semaphore_mem>> -> memref<1x!tpu.dma_semaphore, #tpu.memory_space<semaphore_mem>>
    %dma_start3A_946 = tpu.memref_squeeze %dma_start3A_945 : memref<1x!tpu.dma_semaphore, #tpu.memory_space<semaphore_mem>> -> memref<!tpu.dma_semaphore, #tpu.memory_space<semaphore_mem>>
    %dma_start3A_947 = arith.constant 0 : i32
    %dma_start3A_948 = arith.constant 0 : i32
    %dma_start3A_949 = tpu.memref_slice %arg4[%dma_start3A_937, %dma_start3A_947, %dma_start3A_948] : memref<2x8x4096xf32, #tpu.memory_space<vmem>> -> memref<1x8x4096xf32, #tpu.memory_space<vmem>>
    %dma_start3A_950 = tpu.memref_squeeze %dma_start3A_949 : memref<1x8x4096xf32, #tpu.memory_space<vmem>> -> memref<8x4096xf32, #tpu.memory_space<vmem>>
    %dma_start3A_951 = arith.constant 0 : i32
    %dma_start3A_952 = tpu.memref_slice %arg2[%add3A_936, %dma_start3A_951] : memref<8192x4096xf32, #tpu.memory_space<hbm>> -> memref<8x4096xf32, #tpu.memory_space<hbm>>
    tpu.enqueue_dma source(%dma_start3A_952 : memref<8x4096xf32, #tpu.memory_space<hbm>>) target(%dma_start3A_950 : memref<8x4096xf32, #tpu.memory_space<vmem>>) target_semaphore(%dma_start3A_946 : memref<!tpu.dma_semaphore, #tpu.memory_space<semaphore_mem>>)
    %add3A_953 = arith.constant 4608 : i32
    %add3A_954 = arith.addi %add3A_953, %mul3A_2 : i32
    %add3A_955 = arith.constant 96 : i32
    %add3A_956 = arith.addi %add3A_954, %add3A_955 : i32
    %dma_wait3A_957 = arith.constant 0 : i32
    %dma_wait3A_958 = arith.constant 0 : i32
    %dma_wait3A_959 = arith.constant 0 : i32
    %dma_wait3A_960 = arith.constant 0 : i32
    %dma_wait3A_961 = tpu.memref_slice %arg4[%dma_wait3A_957, %dma_wait3A_959, %dma_wait3A_960] : memref<2x8x4096xf32, #tpu.memory_space<vmem>> -> memref<1x8x4096xf32, #tpu.memory_space<vmem>>
    %dma_wait3A_962 = tpu.memref_squeeze %dma_wait3A_961 : memref<1x8x4096xf32, #tpu.memory_space<vmem>> -> memref<8x4096xf32, #tpu.memory_space<vmem>>
    %dma_wait3A_963 = arith.constant 0 : i32
    %dma_wait3A_964 = tpu.memref_slice %arg2[%add3A_956, %dma_wait3A_963] : memref<8192x4096xf32, #tpu.memory_space<hbm>> -> memref<8x4096xf32, #tpu.memory_space<hbm>>
    %dma_wait3A_965 = tpu.memref_slice %arg5[%dma_wait3A_958] : memref<2x!tpu.dma_semaphore, #tpu.memory_space<semaphore_mem>> -> memref<1x!tpu.dma_semaphore, #tpu.memory_space<semaphore_mem>>
    %dma_wait3A_966 = tpu.memref_squeeze %dma_wait3A_965 : memref<1x!tpu.dma_semaphore, #tpu.memory_space<semaphore_mem>> -> memref<!tpu.dma_semaphore, #tpu.memory_space<semaphore_mem>>
    %dma_wait3A_967 = arith.constant 0 : i32
    %dma_wait3A_968 = arith.constant 0 : i32
    %dma_wait3A_969 = tpu.memref_slice %arg4[%dma_wait3A_957, %dma_wait3A_967, %dma_wait3A_968] : memref<2x8x4096xf32, #tpu.memory_space<vmem>> -> memref<1x8x4096xf32, #tpu.memory_space<vmem>>
    %dma_wait3A_970 = tpu.memref_squeeze %dma_wait3A_969 : memref<1x8x4096xf32, #tpu.memory_space<vmem>> -> memref<8x4096xf32, #tpu.memory_space<vmem>>
    %dma_wait3A_971 = arith.constant 0 : i32
    %dma_wait3A_972 = tpu.memref_slice %arg2[%add3A_956, %dma_wait3A_971] : memref<8192x4096xf32, #tpu.memory_space<hbm>> -> memref<8x4096xf32, #tpu.memory_space<hbm>>
    tpu.wait_dma2 semaphore(%dma_wait3A_966 : memref<!tpu.dma_semaphore, #tpu.memory_space<semaphore_mem>>) src(%dma_wait3A_972 : memref<8x4096xf32, #tpu.memory_space<hbm>>) dst(%dma_wait3A_970 : memref<8x4096xf32, #tpu.memory_space<vmem>>)
    %add3A_973 = arith.constant 96 : i32
    %add3A_974 = arith.addi %mul3A_2, %add3A_973 : i32
    %dma_start3A_975 = arith.constant 0 : i32
    %dma_start3A_976 = arith.constant 0 : i32
    %dma_start3A_977 = arith.constant 0 : i32
    %dma_start3A_978 = arith.constant 0 : i32
    %dma_start3A_979 = tpu.memref_slice %arg4[%dma_start3A_975, %dma_start3A_977, %dma_start3A_978] : memref<2x8x4096xf32, #tpu.memory_space<vmem>> -> memref<1x8x4096xf32, #tpu.memory_space<vmem>>
    %dma_start3A_980 = tpu.memref_squeeze %dma_start3A_979 : memref<1x8x4096xf32, #tpu.memory_space<vmem>> -> memref<8x4096xf32, #tpu.memory_space<vmem>>
    %dma_start3A_981 = arith.constant 0 : i32
    %dma_start3A_982 = tpu.memref_slice %arg3[%add3A_974, %dma_start3A_981] : memref<3584x4096xf32, #tpu.memory_space<hbm>> -> memref<8x4096xf32, #tpu.memory_space<hbm>>
    %dma_start3A_983 = tpu.memref_slice %arg6[%dma_start3A_976] : memref<2x!tpu.dma_semaphore, #tpu.memory_space<semaphore_mem>> -> memref<1x!tpu.dma_semaphore, #tpu.memory_space<semaphore_mem>>
    %dma_start3A_984 = tpu.memref_squeeze %dma_start3A_983 : memref<1x!tpu.dma_semaphore, #tpu.memory_space<semaphore_mem>> -> memref<!tpu.dma_semaphore, #tpu.memory_space<semaphore_mem>>
    %dma_start3A_985 = arith.constant 0 : i32
    %dma_start3A_986 = tpu.memref_slice %arg3[%add3A_974, %dma_start3A_985] : memref<3584x4096xf32, #tpu.memory_space<hbm>> -> memref<8x4096xf32, #tpu.memory_space<hbm>>
    %dma_start3A_987 = arith.constant 0 : i32
    %dma_start3A_988 = arith.constant 0 : i32
    %dma_start3A_989 = tpu.memref_slice %arg4[%dma_start3A_975, %dma_start3A_987, %dma_start3A_988] : memref<2x8x4096xf32, #tpu.memory_space<vmem>> -> memref<1x8x4096xf32, #tpu.memory_space<vmem>>
    %dma_start3A_990 = tpu.memref_squeeze %dma_start3A_989 : memref<1x8x4096xf32, #tpu.memory_space<vmem>> -> memref<8x4096xf32, #tpu.memory_space<vmem>>
    tpu.enqueue_dma source(%dma_start3A_990 : memref<8x4096xf32, #tpu.memory_space<vmem>>) target(%dma_start3A_986 : memref<8x4096xf32, #tpu.memory_space<hbm>>) target_semaphore(%dma_start3A_984 : memref<!tpu.dma_semaphore, #tpu.memory_space<semaphore_mem>>)
    %add3A_991 = arith.constant 4608 : i32
    %add3A_992 = arith.addi %add3A_991, %mul3A_2 : i32
    %add3A_993 = arith.constant 104 : i32
    %add3A_994 = arith.addi %add3A_992, %add3A_993 : i32
    %dma_wait3A_995 = arith.constant 1 : i32
    %dma_wait3A_996 = arith.constant 1 : i32
    %dma_wait3A_997 = arith.constant 0 : i32
    %dma_wait3A_998 = arith.constant 0 : i32
    %dma_wait3A_999 = tpu.memref_slice %arg4[%dma_wait3A_995, %dma_wait3A_997, %dma_wait3A_998] : memref<2x8x4096xf32, #tpu.memory_space<vmem>> -> memref<1x8x4096xf32, #tpu.memory_space<vmem>>
    %dma_wait3A_1000 = tpu.memref_squeeze %dma_wait3A_999 : memref<1x8x4096xf32, #tpu.memory_space<vmem>> -> memref<8x4096xf32, #tpu.memory_space<vmem>>
    %dma_wait3A_1001 = arith.constant 0 : i32
    %dma_wait3A_1002 = tpu.memref_slice %arg2[%add3A_994, %dma_wait3A_1001] : memref<8192x4096xf32, #tpu.memory_space<hbm>> -> memref<8x4096xf32, #tpu.memory_space<hbm>>
    %dma_wait3A_1003 = tpu.memref_slice %arg5[%dma_wait3A_996] : memref<2x!tpu.dma_semaphore, #tpu.memory_space<semaphore_mem>> -> memref<1x!tpu.dma_semaphore, #tpu.memory_space<semaphore_mem>>
    %dma_wait3A_1004 = tpu.memref_squeeze %dma_wait3A_1003 : memref<1x!tpu.dma_semaphore, #tpu.memory_space<semaphore_mem>> -> memref<!tpu.dma_semaphore, #tpu.memory_space<semaphore_mem>>
    %dma_wait3A_1005 = arith.constant 0 : i32
    %dma_wait3A_1006 = arith.constant 0 : i32
    %dma_wait3A_1007 = tpu.memref_slice %arg4[%dma_wait3A_995, %dma_wait3A_1005, %dma_wait3A_1006] : memref<2x8x4096xf32, #tpu.memory_space<vmem>> -> memref<1x8x4096xf32, #tpu.memory_space<vmem>>
    %dma_wait3A_1008 = tpu.memref_squeeze %dma_wait3A_1007 : memref<1x8x4096xf32, #tpu.memory_space<vmem>> -> memref<8x4096xf32, #tpu.memory_space<vmem>>
    %dma_wait3A_1009 = arith.constant 0 : i32
    %dma_wait3A_1010 = tpu.memref_slice %arg2[%add3A_994, %dma_wait3A_1009] : memref<8192x4096xf32, #tpu.memory_space<hbm>> -> memref<8x4096xf32, #tpu.memory_space<hbm>>
    tpu.wait_dma2 semaphore(%dma_wait3A_1004 : memref<!tpu.dma_semaphore, #tpu.memory_space<semaphore_mem>>) src(%dma_wait3A_1010 : memref<8x4096xf32, #tpu.memory_space<hbm>>) dst(%dma_wait3A_1008 : memref<8x4096xf32, #tpu.memory_space<vmem>>)
    %add3A_1011 = arith.constant 104 : i32
    %add3A_1012 = arith.addi %mul3A_2, %add3A_1011 : i32
    %dma_start3A_1013 = arith.constant 1 : i32
    %dma_start3A_1014 = arith.constant 1 : i32
    %dma_start3A_1015 = arith.constant 0 : i32
    %dma_start3A_1016 = arith.constant 0 : i32
    %dma_start3A_1017 = tpu.memref_slice %arg4[%dma_start3A_1013, %dma_start3A_1015, %dma_start3A_1016] : memref<2x8x4096xf32, #tpu.memory_space<vmem>> -> memref<1x8x4096xf32, #tpu.memory_space<vmem>>
    %dma_start3A_1018 = tpu.memref_squeeze %dma_start3A_1017 : memref<1x8x4096xf32, #tpu.memory_space<vmem>> -> memref<8x4096xf32, #tpu.memory_space<vmem>>
    %dma_start3A_1019 = arith.constant 0 : i32
    %dma_start3A_1020 = tpu.memref_slice %arg3[%add3A_1012, %dma_start3A_1019] : memref<3584x4096xf32, #tpu.memory_space<hbm>> -> memref<8x4096xf32, #tpu.memory_space<hbm>>
    %dma_start3A_1021 = tpu.memref_slice %arg6[%dma_start3A_1014] : memref<2x!tpu.dma_semaphore, #tpu.memory_space<semaphore_mem>> -> memref<1x!tpu.dma_semaphore, #tpu.memory_space<semaphore_mem>>
    %dma_start3A_1022 = tpu.memref_squeeze %dma_start3A_1021 : memref<1x!tpu.dma_semaphore, #tpu.memory_space<semaphore_mem>> -> memref<!tpu.dma_semaphore, #tpu.memory_space<semaphore_mem>>
    %dma_start3A_1023 = arith.constant 0 : i32
    %dma_start3A_1024 = tpu.memref_slice %arg3[%add3A_1012, %dma_start3A_1023] : memref<3584x4096xf32, #tpu.memory_space<hbm>> -> memref<8x4096xf32, #tpu.memory_space<hbm>>
    %dma_start3A_1025 = arith.constant 0 : i32
    %dma_start3A_1026 = arith.constant 0 : i32
    %dma_start3A_1027 = tpu.memref_slice %arg4[%dma_start3A_1013, %dma_start3A_1025, %dma_start3A_1026] : memref<2x8x4096xf32, #tpu.memory_space<vmem>> -> memref<1x8x4096xf32, #tpu.memory_space<vmem>>
    %dma_start3A_1028 = tpu.memref_squeeze %dma_start3A_1027 : memref<1x8x4096xf32, #tpu.memory_space<vmem>> -> memref<8x4096xf32, #tpu.memory_space<vmem>>
    tpu.enqueue_dma source(%dma_start3A_1028 : memref<8x4096xf32, #tpu.memory_space<vmem>>) target(%dma_start3A_1024 : memref<8x4096xf32, #tpu.memory_space<hbm>>) target_semaphore(%dma_start3A_1022 : memref<!tpu.dma_semaphore, #tpu.memory_space<semaphore_mem>>)
    %add3A_1029 = arith.constant 96 : i32
    %add3A_1030 = arith.addi %mul3A_2, %add3A_1029 : i32
    %dma_wait3A_1031 = arith.constant 0 : i32
    %dma_wait3A_1032 = arith.constant 0 : i32
    %dma_wait3A_1033 = arith.constant 0 : i32
    %dma_wait3A_1034 = arith.constant 0 : i32
    %dma_wait3A_1035 = tpu.memref_slice %arg4[%dma_wait3A_1031, %dma_wait3A_1033, %dma_wait3A_1034] : memref<2x8x4096xf32, #tpu.memory_space<vmem>> -> memref<1x8x4096xf32, #tpu.memory_space<vmem>>
    %dma_wait3A_1036 = tpu.memref_squeeze %dma_wait3A_1035 : memref<1x8x4096xf32, #tpu.memory_space<vmem>> -> memref<8x4096xf32, #tpu.memory_space<vmem>>
    %dma_wait3A_1037 = arith.constant 0 : i32
    %dma_wait3A_1038 = tpu.memref_slice %arg3[%add3A_1030, %dma_wait3A_1037] : memref<3584x4096xf32, #tpu.memory_space<hbm>> -> memref<8x4096xf32, #tpu.memory_space<hbm>>
    %dma_wait3A_1039 = tpu.memref_slice %arg6[%dma_wait3A_1032] : memref<2x!tpu.dma_semaphore, #tpu.memory_space<semaphore_mem>> -> memref<1x!tpu.dma_semaphore, #tpu.memory_space<semaphore_mem>>
    %dma_wait3A_1040 = tpu.memref_squeeze %dma_wait3A_1039 : memref<1x!tpu.dma_semaphore, #tpu.memory_space<semaphore_mem>> -> memref<!tpu.dma_semaphore, #tpu.memory_space<semaphore_mem>>
    %dma_wait3A_1041 = arith.constant 0 : i32
    %dma_wait3A_1042 = tpu.memref_slice %arg3[%add3A_1030, %dma_wait3A_1041] : memref<3584x4096xf32, #tpu.memory_space<hbm>> -> memref<8x4096xf32, #tpu.memory_space<hbm>>
    %dma_wait3A_1043 = arith.constant 0 : i32
    %dma_wait3A_1044 = arith.constant 0 : i32
    %dma_wait3A_1045 = tpu.memref_slice %arg4[%dma_wait3A_1031, %dma_wait3A_1043, %dma_wait3A_1044] : memref<2x8x4096xf32, #tpu.memory_space<vmem>> -> memref<1x8x4096xf32, #tpu.memory_space<vmem>>
    %dma_wait3A_1046 = tpu.memref_squeeze %dma_wait3A_1045 : memref<1x8x4096xf32, #tpu.memory_space<vmem>> -> memref<8x4096xf32, #tpu.memory_space<vmem>>
    tpu.wait_dma2 semaphore(%dma_wait3A_1040 : memref<!tpu.dma_semaphore, #tpu.memory_space<semaphore_mem>>) src(%dma_wait3A_1046 : memref<8x4096xf32, #tpu.memory_space<vmem>>) dst(%dma_wait3A_1042 : memref<8x4096xf32, #tpu.memory_space<hbm>>)
    %add3A_1047 = arith.constant 104 : i32
    %add3A_1048 = arith.addi %mul3A_2, %add3A_1047 : i32
    %dma_wait3A_1049 = arith.constant 1 : i32
    %dma_wait3A_1050 = arith.constant 1 : i32
    %dma_wait3A_1051 = arith.constant 0 : i32
    %dma_wait3A_1052 = arith.constant 0 : i32
    %dma_wait3A_1053 = tpu.memref_slice %arg4[%dma_wait3A_1049, %dma_wait3A_1051, %dma_wait3A_1052] : memref<2x8x4096xf32, #tpu.memory_space<vmem>> -> memref<1x8x4096xf32, #tpu.memory_space<vmem>>
    %dma_wait3A_1054 = tpu.memref_squeeze %dma_wait3A_1053 : memref<1x8x4096xf32, #tpu.memory_space<vmem>> -> memref<8x4096xf32, #tpu.memory_space<vmem>>
    %dma_wait3A_1055 = arith.constant 0 : i32
    %dma_wait3A_1056 = tpu.memref_slice %arg3[%add3A_1048, %dma_wait3A_1055] : memref<3584x4096xf32, #tpu.memory_space<hbm>> -> memref<8x4096xf32, #tpu.memory_space<hbm>>
    %dma_wait3A_1057 = tpu.memref_slice %arg6[%dma_wait3A_1050] : memref<2x!tpu.dma_semaphore, #tpu.memory_space<semaphore_mem>> -> memref<1x!tpu.dma_semaphore, #tpu.memory_space<semaphore_mem>>
    %dma_wait3A_1058 = tpu.memref_squeeze %dma_wait3A_1057 : memref<1x!tpu.dma_semaphore, #tpu.memory_space<semaphore_mem>> -> memref<!tpu.dma_semaphore, #tpu.memory_space<semaphore_mem>>
    %dma_wait3A_1059 = arith.constant 0 : i32
    %dma_wait3A_1060 = tpu.memref_slice %arg3[%add3A_1048, %dma_wait3A_1059] : memref<3584x4096xf32, #tpu.memory_space<hbm>> -> memref<8x4096xf32, #tpu.memory_space<hbm>>
    %dma_wait3A_1061 = arith.constant 0 : i32
    %dma_wait3A_1062 = arith.constant 0 : i32
    %dma_wait3A_1063 = tpu.memref_slice %arg4[%dma_wait3A_1049, %dma_wait3A_1061, %dma_wait3A_1062] : memref<2x8x4096xf32, #tpu.memory_space<vmem>> -> memref<1x8x4096xf32, #tpu.memory_space<vmem>>
    %dma_wait3A_1064 = tpu.memref_squeeze %dma_wait3A_1063 : memref<1x8x4096xf32, #tpu.memory_space<vmem>> -> memref<8x4096xf32, #tpu.memory_space<vmem>>
    tpu.wait_dma2 semaphore(%dma_wait3A_1058 : memref<!tpu.dma_semaphore, #tpu.memory_space<semaphore_mem>>) src(%dma_wait3A_1064 : memref<8x4096xf32, #tpu.memory_space<vmem>>) dst(%dma_wait3A_1060 : memref<8x4096xf32, #tpu.memory_space<hbm>>)
    return
  }
}

module attributes {stable_mosaic.version = 14 : i64} {
  func.func @_tc_body(%arg0: i32, %arg1: memref<512x4096xf32, #tpu.memory_space<vmem>>, %arg2: memref<512x4096xf32, #tpu.memory_space<vmem>>) attributes {dimension_semantics = [#tpu.dimension_semantics<arbitrary>], iteration_bounds = array<i64: 9>, scalar_prefetch = 0 : i64, scratch_operands = 0 : i64, tpu.core_type = #tpu.core_type<tc>, window_params = [{transform_indices = @transform_0, window_bounds = array<i64: 512, 4096>}, {transform_indices = @transform_1, window_bounds = array<i64: 512, 4096>}]} {
    %get3A = arith.constant 0 : index
    %get3A_0 = arith.constant 0 : index
    %get3A_1 = vector.load %arg1[%get3A, %get3A_0] : memref<512x4096xf32, #tpu.memory_space<vmem>>, vector<512x4096xf32>
    %swap3A = arith.constant 0 : index
    %swap3A_2 = arith.constant 0 : index
    %swap3A_3 = vector.load %arg2[%swap3A, %swap3A_2] : memref<512x4096xf32, #tpu.memory_space<vmem>>, vector<512x4096xf32>
    tpu.vector_store %arg2[%swap3A, %swap3A_2], %get3A_1 {strides = array<i32>} : memref<512x4096xf32, #tpu.memory_space<vmem>>, vector<512x4096xf32>,
    return
  }
  func.func @transform_0(%arg0: i32) -> (i32, i32) {
    %c0_i32 = arith.constant 0 : i32
    %c0_i32_0 = arith.constant 0 : i32
    return %arg0, %c0_i32 : i32, i32
  }
  func.func @transform_1(%arg0: i32) -> (i32, i32) {
    %c0_i32 = arith.constant 0 : i32
    %c0_i32_0 = arith.constant 0 : i32
    return %arg0, %c0_i32 : i32, i32
  }
}

</mosaic_0001>

<sc_bundles>
// kernel: kernel.4.cloned.1.call-start
scs
__scs_entry_jumppad:
0x0: {  	(pc) =	sbr.rel $0x88, $3  }
0x1: {  	(tag) =	ssettag $0x0;
	lr =	simm.s32 $0x1  }
0x2: {  	[smem:$0x3FA0] =	sst lr;
	_ =	strace $0xD0000000  }
0x3: {  	_ = 	snop  }
0x4: {  	_ = 	snop  }
0x5: {  	_ = 	snop  }
0x6: {  	_ = 	snop  }
0x7: {  	_ = 	snop  }
__scs_overlays_trampoline_lowered:
0x8: {  	[smem:$0x3FAF] =	sst s0  }
0x9: {  	[smem:$0x3FB0] =	sst s1  }
0xa: {  	[smem:$0x3FB1] =	sst s2  }
0xb: {  	[smem:$0x3FB2] =	sst s3  }
0xc: {  	[smem:$0x3FB3] =	sst s4  }
0xd: {  	[smem:$0x3FB4] =	sst s5  }
0xe: {  	[smem:$0x3FB5] =	sst s6  }
0xf: {  	[smem:$0x3FB6] =	sst s7  }
0x10: {  	[smem:$0x3FB7] =	sst s8  }
0x11: {  	[smem:$0x3FB8] =	sst s9;
	s0 =	simm.s32 @!p0 $0x0  }
0x12: {  	s1 =	sld [smem:$0x3F9E];
	s0 =	simm.s32 @p0 $0x1  }
0x13: {  	[smem:$0x3FB9] =	sst s0;
	s0 =	simm.s32 @!p1 $0x0  }
0x14: {  	s2 =	sld [smem:$0x3F9D];
	s0 =	simm.s32 @p1 $0x1  }
0x15: {  	[smem:$0x3FBA] =	sst s0;
	s0 =	simm.s32 @!p2 $0x0  }
0x16: {  	s3 =	sld [smem:$0x3FDB];
	s0 =	simm.s32 @p2 $0x1  }
0x17: {  	s4 =	simm.s32 $0x1BF5;
	[smem:$0x3FBC] =	sst s0  }
0x18: {  	s0 =	sld [smem:$0x3F9F];
	_ =	swait.ge [sflag:s4], $0x0  }
0x19: {  	s7 =	sld [smem:$0x3FA0]  }
0x1a: {  	s8 =	sadd.s32 $0xFFFFE003, lr  }
0x1b: {  	s9 =	sadd.s32 $0xFFFFFEF7, lr;
	s5 =	simm.s32 $0xFFFFFFFF;
	p2 =	slt.u32 s8, $0xFFFFF086  }
0x1c: {  	p1 =	slt.u32 s9, $0xF7A;
	s5 =	simm.s32 @!p2 $0x0  }
0x1d: {  	s5 =	simm.s32 @p1 $0x1;
	p0 =	seq.s32 s7, s2  }
0x1e: {  	s7 =	smul.u32 @!p0 $0xF7A, s2;
	p2 =	seq.s32 @!p0 s5, $0x0  }
0x1f: {  	s9 =	smul.u32 $0xF7A, s1;
	s8 =	simm.s32 @!p0 $0x1BF5;
	p2 =	por !p2, p0  }
0x20: {  	[sflag:s8] =	ssyncset.s32 @!p0 $0xFFFFF086;
	s6 =	sadd.s32 @!p0 s3, s7;
	s7 =	simm.s32 @!p0 $0x108  }
0x21: {  	s3 =	sadd.s32 s3, s9;
	s6 =	sadd.s32 @!p0 $0x88, s6;
	s7 =	simm.s32 @p2 $0x1082  }
0x22: {  	[simem:s7], [sflag:s8] =	dma.local @!p0 [hbm:s6], $0xF7A  }
0x23: {  	s9 =	sor.u32 $0xD0000000, s2;
	s6 =	simm.s32 $0x108;
	_ =	swait.ge @!p0 [sflag:s8], $0x0  }
0x24: {  	s3 =	sadd.s32 $0x88, s3;
	s6 =	simm.s32 @!p1 $0x1082;
	[sflag:s4] =	ssyncset.s32 $0xFFFFF086  }
0x25: {  	[simem:s6], [sflag:s4] =	dma.local [hbm:s3], $0xF7A  }
0x26: {  	[smem:$0x3FA0] =	sst s1;
	(tag) =	ssettag s2;
	_ =	strace s9  }
0x27: {  	s1 =	sld [smem:$0x3FB0]  }
0x28: {  	s2 =	sld [smem:$0x3FB1]  }
0x29: {  	s4 =	sld [smem:$0x3FB3]  }
0x2a: {  	p0 =	seq.s32 s5, $0x0;
	s5 =	sld [smem:$0x3FB4]  }
0x2b: {  	s6 =	sld [smem:$0x3FB5]  }
0x2c: {  	s7 =	sld [smem:$0x3FB6]  }
0x2d: {  	s3 =	simm.s32 $0x108;
	s8 =	sld [smem:$0x3FB7]  }
0x2e: {  	s3 =	simm.s32 @!p0 $0x1082;
	s9 =	sld [smem:$0x3FB8]  }
0x2f: {  	lr =	sadd.s32 s0, s3;
	s0 =	sld [smem:$0x3FAF]  }
0x30: {  	s3 =	sld [smem:$0x3FB2]  }
0x31: {  	[smem:$0x3FBB] =	sst s10  }
0x32: {  	s10 =	sld [smem:$0x3FB9];
	_ =	sdelay $0x3  }
0x33: {  	p0 =	seq.s32 s10, $0x1;
	s10 =	sld [smem:$0x3FBB];
	_ =	sdelay $0x3  }
0x34: {  	[smem:$0x3FBB] =	sst s10  }
0x35: {  	s10 =	sld [smem:$0x3FBA];
	_ =	sdelay $0x3  }
0x36: {  	p1 =	seq.s32 s10, $0x1;
	s10 =	sld [smem:$0x3FBB];
	_ =	sdelay $0x3  }
0x37: {  	[smem:$0x3FBB] =	sst s10  }
0x38: {  	s10 =	sld [smem:$0x3FBC]  }
0x39: {  	_ = 	snop;
	(pc) =	sbr.ind lr, $3  }
0x3a: {  	_ = 	snop  }
0x3b: {  	_ = 	snop  }
0x3c: {  	p2 =	seq.s32 s10, $0x1;
	s10 =	sld [smem:$0x3FBB]  }
0x3d: {  	_ =	shalt  }
0x3e: {  	_ =	shalt  }
0x3f: {  	_ =	shalt  }
0x40: {  	_ =	shalt  }
0x41: {  	_ =	shalt  }
0x42: {  	_ =	shalt  }
0x43: {  	_ =	shalt  }
0x44: {  	_ =	shalt  }
0x45: {  	_ =	shalt  }
0x46: {  	_ =	shalt  }
0x47: {  	_ =	shalt  }
0x48: {  	_ =	shalt  }
0x49: {  	_ =	shalt  }
0x4a: {  	_ =	shalt  }
0x4b: {  	_ =	shalt  }
0x4c: {  	_ =	shalt  }
0x4d: {  	_ =	shalt  }
0x4e: {  	_ =	shalt  }
0x4f: {  	_ =	shalt  }
0x50: {  	_ =	shalt  }
0x51: {  	_ =	shalt  }
0x52: {  	_ =	shalt  }
0x53: {  	_ =	shalt  }
0x54: {  	_ =	shalt  }
0x55: {  	_ =	shalt  }
0x56: {  	_ =	shalt  }
0x57: {  	_ =	shalt  }
0x58: {  	_ =	shalt  }
0x59: {  	_ =	shalt  }
0x5a: {  	_ =	shalt  }
0x5b: {  	_ =	shalt  }
0x5c: {  	_ =	shalt  }
0x5d: {  	_ =	shalt  }
0x5e: {  	_ =	shalt  }
0x5f: {  	_ =	shalt  }
0x60: {  	_ =	shalt  }
0x61: {  	_ =	shalt  }
0x62: {  	_ =	shalt  }
0x63: {  	_ =	shalt  }
0x64: {  	_ =	shalt  }
0x65: {  	_ =	shalt  }
0x66: {  	_ =	shalt  }
0x67: {  	_ =	shalt  }
0x68: {  	_ =	shalt  }
0x69: {  	_ =	shalt  }
0x6a: {  	_ =	shalt  }
0x6b: {  	_ =	shalt  }
0x6c: {  	_ =	shalt  }
0x6d: {  	_ =	shalt  }
0x6e: {  	_ =	shalt  }
0x6f: {  	_ =	shalt  }
0x70: {  	_ =	shalt  }
0x71: {  	_ =	shalt  }
0x72: {  	_ =	shalt  }
0x73: {  	_ =	shalt  }
0x74: {  	_ =	shalt  }
0x75: {  	_ =	shalt  }
0x76: {  	_ =	shalt  }
0x77: {  	_ =	shalt  }
0x78: {  	_ =	shalt  }
0x79: {  	_ =	shalt  }
0x7a: {  	_ =	shalt  }
0x7b: {  	_ =	shalt  }
0x7c: {  	_ =	shalt  }
0x7d: {  	_ =	shalt  }
0x7e: {  	_ =	shalt  }
0x7f: {  	_ =	shalt  }
0x80: {  	_ =	shalt  }
0x81: {  	_ =	shalt  }
0x82: {  	_ =	shalt  }
0x83: {  	_ =	shalt  }
0x84: {  	_ =	shalt  }
0x85: {  	_ =	shalt  }
0x86: {  	_ =	shalt  }
0x87: {  	_ =	shalt  }
.Lfunc_end0:
.L_simem_size_0:
called_computation_lowered:
.L_overlay_start_0:
0x88: {  	s2 =	sld [smem:$0x3FD9]  }
0x89: {  	s3 =	sld [smem:$0x3FFE];
	_ =	sdelay $0x1  }
0x8a: {  	s1 =	srdreg.scid  }
0x8b: {  	s0 =	sand.u32 $0x1, s1  }
0x8c: {  	s17 =	sshll.u32 s0, $0xA;
	s2 =	sadd.s32 s3, s2  }
0x8d: {  	s2 =	sadd.s32 s2, s17  }
0x8e: {  	[smem:$0x3FC7] =	sst s2  }
0x8f: {  	_ = 	snop  }
0x90: {  	s2 =	sld [smem:$0x3FC9];
	(tm) =	ssettm $0x1  }
0x91: {  	s18 =	sld [smem:$0x3FFB];
	_ =	sdelay $0x3  }
0x92: {  	_ =	strace s18  }
0x93: {  	s3 =	sld [smem:$0x3FFC];
	_ =	sdelay $0x3  }
0x94: {  	_ =	strace s3  }
0x95: {  	s3 =	sld [smem:$0x3FFD];
	_ =	sdelay $0x3  }
0x96: {  	_ =	strace s3  }
0x97: {  	_ =	strace $0x8FFFFFFF  }
0x98: {  	s19 =	sld [smem:$0x3FDB];
	_ =	sdelay $0x1  }
0x99: {  	s4 =	simm.s32 $_scs_section_size  }
0x9a: {  	s5 =	simm.s32 $_size__tile_overlayer_lowered;
	s6 =	simm.s32 $_tile_overlayer_lowered  }
0x9b: {  	s22 =	simm.s32 $0x1BFF;
	s21 =	sshll.u32 s6, $0x1;
	s3 =	sadd.s32 s4, s19  }
0x9c: {  	s7 =	simm.s32 $0x0;
	s20 =	sshll.u32 s5, $0x1;
	s5 =	sadd.s32 s21, s3  }
0x9d: {  	[timem:s7], [sflag:s22] =	dma.local [hbm:s5], s20  }
0x9e: {  	_ =	swait.ge [sflag:s22], s20  }
0x9f: {  	s4 =	ssub.s32 $0x0, s20;
	[sflag:s22] =	ssyncset.done $0x0  }
0xa0: {  	[sflag:s22] =	ssyncadd.s32 s4;
	_ =	sdelay $0x1  }
0xa1: {  	s23 =	simm.s32 $0x1B8B  }
0xa2: {  	_ =	swait.ge [sflag:s23], $0x1  }
0xa3: {  	[sflag:s23] =	ssyncset.done $0x0  }
0xa4: {  	s25 =	simm.s32 $0x1B8E;
	s24 =	sld [smem:$0x3FFE];
	[sflag:s23] =	ssyncadd.s32 $0xFFFFFFFF  }
0xa5: {  	s26 =	simm.s32 $execute0_lowered;
	[smem:$0x3FD2] =	sst s25  }
0xa6: {  	s5 =	sshll.u32 s26, $0x1;
	_ =	strace $0x80000046;
	[dreg:$0x1] =	wrdreg $0xFFFFFFFF  }
0xa7: {  	s28 =	simm.s32 $_size_execute0_lowered;
	s3 =	sadd.s32 s3, s5;
	[dreg:$0x0] =	wrdreg $0x0  }
0xa8: {  	s5 =	sshll.u32 s28, $0x1;
	[dreg:$0x2] =	wrdreg s3  }
0xa9: {  	[dreg:$0x3] =	wrdreg s5  }
0xaa: {  	[dreg:$0x4] =	wrdreg $0xC0  }
0xab: {  	_ =	task [dreg:s7], $0x5FFFF  }
0xac: {  	[dreg:$0x1] =	wrdreg $0xFFFFFFFF  }
0xad: {  	[dreg:$0x0] =	wrdreg $0x60  }
0xae: {  	[dreg:$0x2] =	wrdreg s2  }
0xaf: {  	[dreg:$0x3] =	wrdreg s24  }
0xb0: {  	[dreg:$0x4] =	wrdreg $0x9  }
0xb1: {  	_ =	task.clear_ibuf [dreg:s7], $0x5FFFF;
	_ =	strace $0x90000046  }
0xb2: {  	s29 =	simm.s32 $0x9;
	_ =	strace $0x80000048  }
0xb3: {  	_ =	swait.ge [sflag:s29], $0x1  }
0xb4: {  	[sflag:s29] =	ssyncadd.s32 $0xFFFFFFFF  }
0xb5: {  	_ =	strace $0x90000048  }
0xb6: {  	_ =	sfence  }
0xb7: {  	s30 =	sld [smem:$0x0];
	_ =	sdelay $0x2  }
0xb8: {  	s31 =	sshll.u32 s1, $0xD;
	s1 =	sshrl.u32 s1, $0x2  }
0xb9: {  	s3 =	sand.u32 $0x4000, s31;
	s1 =	sadd.s32 s1, s30  }
0xba: {  	s0 =	sor.u32 s3, s0;
	s1 =	sshll.u32 s1, $0x11  }
0xbb: {  	s0 =	sor.u32 s1, s0  }
0xbc: {  	s0 =	sadd.s32 $0x8F2B, s0  }
0xbd: {  	[sflag:s0] =	ssyncadd.remote.s32 $0x1  }
0xbe: {  	_ =	sfence.sel $0xFFFF  }
0xbf: {  	[dreg:$0x0] =	wrdreg $0xFFFFFFFF;
	(pc) =	sbr.abs _section_cstart, $3  }
0xc0: {  	[dreg:$0x1] =	wrdreg $0xFFFFFFFF  }
0xc1: {  	_ =	task.clear_ibuf [dreg:s7], $0x2FFFF;
	_ =	strace $0x9FFFFFFF  }
0xc2: {  	(tm) =	ssettm $0x7FFFFFFF  }
0xc3: {  	_ =	shalt  }
tec
execute0_lowered:
.L_overlay_start_1:
0x0: {  	(tag) =	ssettag $0x1  }
0x1: {  	s1 =	srdreg.scid;
	s0 =	stileid.u32  }
0x2: {  	s1 =	sand.u32 $0x1, s1;
	s2 =	sshll.u32 s0, $0x1  }
0x3: {  	s3 =	sor.u32 s1, s2  }
0x4: {  	s5 =	smul.u32 $0x70000, s3  }
0x5: {  	s6 =	rddreg [dreg:$0x1];
	s3 =	smul.u32 $0xE000, s3  }
0x6: {  	s4 =	rddreg [dreg:$0x0];
	s10 =	sadd.s32 $0x400, s6  }
0x7: {  	s2 =	simm.s32 $0x0;
	s9 =	sshrl.u32 s5, $0x3;
	s22 =	sadd.s32 s10, s3  }
0x8: {  	[smem:$0x7FF] =	sst s2;
	s29 =	sadd.s32 s4, s9;
	s23 =	sadd.s32 $0x1000, s22  }
0x9: {  	_ =	strace $0x80000047;
	s4 =	sadd.s32 $0x240000, s29;
	[dreg:$0x6] =	wrdreg s23  }
0xa: {  	s20 =	sadd.s32 $0x241000, s29;
	[dreg:$0x3] =	wrdreg s4  }
0xb: {  	s21 =	sadd.s32 $0x242000, s29;
	[dreg:$0x4] =	wrdreg s20  }
0xc: {  	s25 =	sadd.s32 $0x243000, s29;
	[dreg:$0x5] =	wrdreg s21  }
0xd: {  	[dreg:$0x7] =	wrdreg s25  }
0xe: {  	s24 =	rddreg [dreg:$0x3]  }
0xf: {  	[tilespmem:s2], [sflag:$0x1] =	stream.linear.gather [hbm4b:s24+s2], $0x8000, $0x38;
	[tilespmem:$0x10000] =	vst v63  }
0x10: {  	s5 =	simm.s32 $0x1;
	s4 =	simm.s32 $0x8000;
	s26 =	rddreg [dreg:$0x4]  }
0x11: {  	[tilespmem:s4], [sflag:$0x2] =	stream.linear.gather [hbm4b:s26+s2], $0x8000, $0x38;
	[tilespmem:$0x10000] =	vst v63  }
0x12: {  	_ =	swait.ge [sflag:s5], $0x8000  }
0x13: {  	[sflag:s5] =	ssyncset.done $0x0  }
0x14: {  	s6 =	simm.s32 $0x3;
	[dreg:$0x8] =	wrdreg s22;
	[sflag:s5] =	ssyncadd.s32 $0xFFFF8000  }
0x15: {  	[hbm4b:s22+s2] =	stream.linear.scatter [tilespmem:s2], [sflag:$0x3], $0x8000, $0x38;
	[tilespmem:$0x10000] =	vst v63  }
0x16: {  	_ =	swait.ge [sflag:s6], $0x8000  }
0x17: {  	[sflag:s6] =	ssyncset.done $0x0  }
0x18: {  	s7 =	simm.s32 $0x2;
	s8 =	rddreg [dreg:$0x5];
	[sflag:s6] =	ssyncadd.s32 $0xFFFF8000  }
0x19: {  	[tilespmem:s2], [sflag:$0x1] =	stream.linear.gather [hbm4b:s8+s2], $0x8000, $0x38;
	[tilespmem:$0x10000] =	vst v63  }
0x1a: {  	_ =	swait.ge [sflag:s7], $0x8000  }
0x1b: {  	[sflag:s7] =	ssyncset.done $0x0  }
0x1c: {  	s8 =	simm.s32 $0x4;
	s11 =	rddreg [dreg:$0x6];
	[sflag:s7] =	ssyncadd.s32 $0xFFFF8000  }
0x1d: {  	[hbm4b:s11+s2] =	stream.linear.scatter [tilespmem:s4], [sflag:$0x4], $0x8000, $0x38;
	[tilespmem:$0x10000] =	vst v63  }
0x1e: {  	_ =	swait.ge [sflag:s8], $0x8000  }
0x1f: {  	[sflag:s8] =	ssyncset.done $0x0  }
0x20: {  	s0 =	rddreg [dreg:$0x7];
	[sflag:s8] =	ssyncadd.s32 $0xFFFF8000  }
0x21: {  	[tilespmem:s4], [sflag:$0x2] =	stream.linear.gather [hbm4b:s0+s2], $0x8000, $0x38;
	[tilespmem:$0x10000] =	vst v63  }
0x22: {  	_ =	swait.ge [sflag:s5], $0x8000  }
0x23: {  	s31 =	sadd.s32 s10, s9;
	[sflag:s5] =	ssyncset.done $0x0  }
0x24: {  	s9 =	sadd.s32 $0x2000, s31;
	[sflag:s5] =	ssyncadd.s32 $0xFFFF8000  }
0x25: {  	[hbm4b:s9+s2] =	stream.linear.scatter [tilespmem:s2], [sflag:$0x3], $0x8000, $0x38;
	[tilespmem:$0x10000] =	vst v63  }
0x26: {  	_ =	swait.ge [sflag:s6], $0x8000  }
0x27: {  	[sflag:s6] =	ssyncset.done $0x0  }
0x28: {  	s10 =	sadd.s32 $0x244000, s29;
	[sflag:s6] =	ssyncadd.s32 $0xFFFF8000  }
0x29: {  	[tilespmem:s2], [sflag:$0x1] =	stream.linear.gather [hbm4b:s10+s2], $0x8000, $0x38;
	[tilespmem:$0x10000] =	vst v63  }
0x2a: {  	_ =	swait.ge [sflag:s7], $0x8000  }
0x2b: {  	[sflag:s7] =	ssyncset.done $0x0  }
0x2c: {  	s11 =	sadd.s32 $0x3000, s31;
	[sflag:s7] =	ssyncadd.s32 $0xFFFF8000  }
0x2d: {  	[hbm4b:s11+s2] =	stream.linear.scatter [tilespmem:s4], [sflag:$0x4], $0x8000, $0x38;
	[tilespmem:$0x10000] =	vst v63  }
0x2e: {  	_ =	swait.ge [sflag:s8], $0x8000  }
0x2f: {  	[sflag:s8] =	ssyncset.done $0x0  }
0x30: {  	s12 =	sadd.s32 $0x245000, s29;
	[sflag:s8] =	ssyncadd.s32 $0xFFFF8000  }
0x31: {  	[tilespmem:s4], [sflag:$0x2] =	stream.linear.gather [hbm4b:s12+s2], $0x8000, $0x38;
	[tilespmem:$0x10000] =	vst v63  }
0x32: {  	_ =	swait.ge [sflag:s5], $0x8000  }
0x33: {  	[sflag:s5] =	ssyncset.done $0x0  }
0x34: {  	s13 =	sadd.s32 $0x4000, s31;
	[sflag:s5] =	ssyncadd.s32 $0xFFFF8000  }
0x35: {  	[hbm4b:s13+s2] =	stream.linear.scatter [tilespmem:s2], [sflag:$0x3], $0x8000, $0x38;
	[tilespmem:$0x10000] =	vst v63  }
0x36: {  	_ =	swait.ge [sflag:s6], $0x8000  }
0x37: {  	[sflag:s6] =	ssyncset.done $0x0  }
0x38: {  	s14 =	sadd.s32 $0x246000, s29;
	[sflag:s6] =	ssyncadd.s32 $0xFFFF8000  }
0x39: {  	[tilespmem:s2], [sflag:$0x1] =	stream.linear.gather [hbm4b:s14+s2], $0x8000, $0x38;
	[tilespmem:$0x10000] =	vst v63  }
0x3a: {  	_ =	swait.ge [sflag:s7], $0x8000  }
0x3b: {  	[sflag:s7] =	ssyncset.done $0x0  }
0x3c: {  	s15 =	sadd.s32 $0x5000, s31;
	[sflag:s7] =	ssyncadd.s32 $0xFFFF8000  }
0x3d: {  	[hbm4b:s15+s2] =	stream.linear.scatter [tilespmem:s4], [sflag:$0x4], $0x8000, $0x38;
	[tilespmem:$0x10000] =	vst v63  }
0x3e: {  	_ =	swait.ge [sflag:s8], $0x8000  }
0x3f: {  	[sflag:s8] =	ssyncset.done $0x0  }
0x40: {  	s16 =	sadd.s32 $0x247000, s29;
	[sflag:s8] =	ssyncadd.s32 $0xFFFF8000  }
0x41: {  	[tilespmem:s4], [sflag:$0x2] =	stream.linear.gather [hbm4b:s16+s2], $0x8000, $0x38;
	[tilespmem:$0x10000] =	vst v63  }
0x42: {  	_ =	swait.ge [sflag:s5], $0x8000  }
0x43: {  	[sflag:s5] =	ssyncset.done $0x0  }
0x44: {  	s17 =	sadd.s32 $0x6000, s31;
	[sflag:s5] =	ssyncadd.s32 $0xFFFF8000  }
0x45: {  	[hbm4b:s17+s2] =	stream.linear.scatter [tilespmem:s2], [sflag:$0x3], $0x8000, $0x38;
	[tilespmem:$0x10000] =	vst v63  }
0x46: {  	_ =	swait.ge [sflag:s6], $0x8000  }
0x47: {  	[sflag:s6] =	ssyncset.done $0x0  }
0x48: {  	s18 =	sadd.s32 $0x248000, s29;
	[sflag:s6] =	ssyncadd.s32 $0xFFFF8000  }
0x49: {  	[tilespmem:s2], [sflag:$0x1] =	stream.linear.gather [hbm4b:s18+s2], $0x8000, $0x38;
	[tilespmem:$0x10000] =	vst v63  }
0x4a: {  	_ =	swait.ge [sflag:s7], $0x8000  }
0x4b: {  	[sflag:s7] =	ssyncset.done $0x0  }
0x4c: {  	s19 =	sadd.s32 $0x7000, s31;
	[sflag:s7] =	ssyncadd.s32 $0xFFFF8000  }
0x4d: {  	[hbm4b:s19+s2] =	stream.linear.scatter [tilespmem:s4], [sflag:$0x4], $0x8000, $0x38;
	[tilespmem:$0x10000] =	vst v63  }
0x4e: {  	_ =	swait.ge [sflag:s8], $0x8000  }
0x4f: {  	[sflag:s8] =	ssyncset.done $0x0  }
0x50: {  	s20 =	sadd.s32 $0x249000, s29;
	[sflag:s8] =	ssyncadd.s32 $0xFFFF8000  }
0x51: {  	[tilespmem:s4], [sflag:$0x2] =	stream.linear.gather [hbm4b:s20+s2], $0x8000, $0x38;
	[tilespmem:$0x10000] =	vst v63  }
0x52: {  	_ =	swait.ge [sflag:s5], $0x8000  }
0x53: {  	[sflag:s5] =	ssyncset.done $0x0  }
0x54: {  	s21 =	sadd.s32 $0x8000, s31;
	[sflag:s5] =	ssyncadd.s32 $0xFFFF8000  }
0x55: {  	[hbm4b:s21+s2] =	stream.linear.scatter [tilespmem:s2], [sflag:$0x3], $0x8000, $0x38;
	[tilespmem:$0x10000] =	vst v63  }
0x56: {  	_ =	swait.ge [sflag:s6], $0x8000  }
0x57: {  	[sflag:s6] =	ssyncset.done $0x0  }
0x58: {  	s22 =	sadd.s32 $0x24A000, s29;
	[sflag:s6] =	ssyncadd.s32 $0xFFFF8000  }
0x59: {  	[tilespmem:s2], [sflag:$0x1] =	stream.linear.gather [hbm4b:s22+s2], $0x8000, $0x38;
	[tilespmem:$0x10000] =	vst v63  }
0x5a: {  	_ =	swait.ge [sflag:s7], $0x8000  }
0x5b: {  	[sflag:s7] =	ssyncset.done $0x0  }
0x5c: {  	s23 =	sadd.s32 $0x9000, s31;
	[sflag:s7] =	ssyncadd.s32 $0xFFFF8000  }
0x5d: {  	[hbm4b:s23+s2] =	stream.linear.scatter [tilespmem:s4], [sflag:$0x4], $0x8000, $0x38;
	[tilespmem:$0x10000] =	vst v63  }
0x5e: {  	_ =	swait.ge [sflag:s8], $0x8000  }
0x5f: {  	[sflag:s8] =	ssyncset.done $0x0  }
0x60: {  	s24 =	sadd.s32 $0x24B000, s29;
	[sflag:s8] =	ssyncadd.s32 $0xFFFF8000  }
0x61: {  	[tilespmem:s4], [sflag:$0x2] =	stream.linear.gather [hbm4b:s24+s2], $0x8000, $0x38;
	[tilespmem:$0x10000] =	vst v63  }
0x62: {  	_ =	swait.ge [sflag:s5], $0x8000  }
0x63: {  	[sflag:s5] =	ssyncset.done $0x0  }
0x64: {  	s25 =	sadd.s32 $0xA000, s31;
	[sflag:s5] =	ssyncadd.s32 $0xFFFF8000  }
0x65: {  	[hbm4b:s25+s2] =	stream.linear.scatter [tilespmem:s2], [sflag:$0x3], $0x8000, $0x38;
	[tilespmem:$0x10000] =	vst v63  }
0x66: {  	_ =	swait.ge [sflag:s6], $0x8000  }
0x67: {  	[sflag:s6] =	ssyncset.done $0x0  }
0x68: {  	s26 =	sadd.s32 $0x24C000, s29;
	[sflag:s6] =	ssyncadd.s32 $0xFFFF8000  }
0x69: {  	[tilespmem:s2], [sflag:$0x1] =	stream.linear.gather [hbm4b:s26+s2], $0x8000, $0x38;
	[tilespmem:$0x10000] =	vst v63  }
0x6a: {  	_ =	swait.ge [sflag:s7], $0x8000  }
0x6b: {  	[sflag:s7] =	ssyncset.done $0x0  }
0x6c: {  	s28 =	sadd.s32 $0xB000, s31;
	[sflag:s7] =	ssyncadd.s32 $0xFFFF8000  }
0x6d: {  	[hbm4b:s28+s2] =	stream.linear.scatter [tilespmem:s4], [sflag:$0x4], $0x8000, $0x38;
	[tilespmem:$0x10000] =	vst v63  }
0x6e: {  	_ =	swait.ge [sflag:s8], $0x8000  }
0x6f: {  	[sflag:s8] =	ssyncset.done $0x0  }
0x70: {  	s29 =	sadd.s32 $0x24D000, s29;
	[sflag:s8] =	ssyncadd.s32 $0xFFFF8000  }
0x71: {  	[tilespmem:s4], [sflag:$0x2] =	stream.linear.gather [hbm4b:s29+s2], $0x8000, $0x38;
	[tilespmem:$0x10000] =	vst v63  }
0x72: {  	_ =	swait.ge [sflag:s5], $0x8000  }
0x73: {  	s1 =	ssub.s32 $0x2, s1;
	[sflag:s5] =	ssyncset.done $0x0  }
0x74: {  	s3 =	sshrl.u32 s1, $0x1;
	s30 =	sadd.s32 $0xC000, s31;
	[sflag:s5] =	ssyncadd.s32 $0xFFFF8000  }
0x75: {  	[hbm4b:s30+s2] =	stream.linear.scatter [tilespmem:s2], [sflag:$0x3], $0x8000, $0x38;
	[tilespmem:$0x10000] =	vst v63  }
0x76: {  	s0 =	ssub.s32 s1, s3;
	_ =	swait.ge [sflag:s7], $0x8000  }
0x77: {  	s0 =	smax.u32 s0, $0x1;
	[sflag:s7] =	ssyncset.done $0x0  }
0x78: {  	s31 =	sadd.s32 $0xD000, s31;
	p0 =	sne.s32 s0, $0x1;
	[sflag:s7] =	ssyncadd.s32 $0xFFFF8000  }
0x79: {  	[hbm4b:s31+s2] =	stream.linear.scatter [tilespmem:s4], [sflag:$0x4], $0x8000, $0x38;
	[tilespmem:$0x10000] =	vst v63  }
.Ltmp0:
0x7a: {  	_ =	swait.ge [sflag:s6], $0x8000;
	(pc) =	sbr.rel @!p0 .LBB2_2-.Ltmp0, $4  }
0x7b: {  	[sflag:s6] =	ssyncset.done $0x0  }
0x7c: {  	[sflag:s6] =	ssyncadd.s32 $0xFFFF8000  }
0x7d: {  	_ =	swait.ge [sflag:s8], $0x8000  }
0x7e: {  	s1 =	sadd.s32 $0xFFFFFFFF, s0;
	[sflag:s8] =	ssyncset.done $0x0  }
.LBB2_1:
0x7f: {  	s0 =	rddreg [dreg:$0x3];
	[sflag:s8] =	ssyncadd.s32 $0xFFFF8000  }
0x80: {  	[tilespmem:s2], [sflag:$0x1] =	stream.linear.gather [hbm4b:s0+s2], $0x8000, $0x38;
	[tilespmem:$0x10000] =	vst v63  }
0x81: {  	s3 =	rddreg [dreg:$0x4]  }
0x82: {  	[tilespmem:s4], [sflag:$0x2] =	stream.linear.gather [hbm4b:s3+s2], $0x8000, $0x38;
	[tilespmem:$0x10000] =	vst v63  }
0x83: {  	_ =	swait.ge [sflag:s5], $0x8000  }
0x84: {  	[sflag:s5] =	ssyncset.done $0x0  }
0x85: {  	s3 =	rddreg [dreg:$0x8];
	[sflag:s5] =	ssyncadd.s32 $0xFFFF8000  }
0x86: {  	[hbm4b:s3+s2] =	stream.linear.scatter [tilespmem:s2], [sflag:$0x3], $0x8000, $0x38;
	[tilespmem:$0x10000] =	vst v63  }
0x87: {  	_ =	swait.ge [sflag:s6], $0x8000  }
0x88: {  	[sflag:s6] =	ssyncset.done $0x0  }
0x89: {  	s3 =	rddreg [dreg:$0x5];
	[sflag:s6] =	ssyncadd.s32 $0xFFFF8000  }
0x8a: {  	[tilespmem:s2], [sflag:$0x1] =	stream.linear.gather [hbm4b:s3+s2], $0x8000, $0x38;
	[tilespmem:$0x10000] =	vst v63  }
0x8b: {  	_ =	swait.ge [sflag:s7], $0x8000  }
0x8c: {  	[sflag:s7] =	ssyncset.done $0x0  }
0x8d: {  	s3 =	rddreg [dreg:$0x6];
	[sflag:s7] =	ssyncadd.s32 $0xFFFF8000  }
0x8e: {  	[hbm4b:s3+s2] =	stream.linear.scatter [tilespmem:s4], [sflag:$0x4], $0x8000, $0x38;
	[tilespmem:$0x10000] =	vst v63  }
0x8f: {  	_ =	swait.ge [sflag:s8], $0x8000  }
0x90: {  	[sflag:s8] =	ssyncset.done $0x0  }
0x91: {  	s3 =	rddreg [dreg:$0x7];
	[sflag:s8] =	ssyncadd.s32 $0xFFFF8000  }
0x92: {  	[tilespmem:s4], [sflag:$0x2] =	stream.linear.gather [hbm4b:s3+s2], $0x8000, $0x38;
	[tilespmem:$0x10000] =	vst v63  }
0x93: {  	_ =	swait.ge [sflag:s5], $0x8000  }
0x94: {  	[sflag:s5] =	ssyncset.done $0x0  }
0x95: {  	[sflag:s5] =	ssyncadd.s32 $0xFFFF8000  }
0x96: {  	[hbm4b:s9+s2] =	stream.linear.scatter [tilespmem:s2], [sflag:$0x3], $0x8000, $0x38;
	[tilespmem:$0x10000] =	vst v63  }
0x97: {  	_ =	swait.ge [sflag:s6], $0x8000  }
0x98: {  	[sflag:s6] =	ssyncset.done $0x0  }
0x99: {  	[sflag:s6] =	ssyncadd.s32 $0xFFFF8000  }
0x9a: {  	[tilespmem:s2], [sflag:$0x1] =	stream.linear.gather [hbm4b:s10+s2], $0x8000, $0x38;
	[tilespmem:$0x10000] =	vst v63  }
0x9b: {  	_ =	swait.ge [sflag:s7], $0x8000  }
0x9c: {  	[sflag:s7] =	ssyncset.done $0x0  }
0x9d: {  	[sflag:s7] =	ssyncadd.s32 $0xFFFF8000  }
0x9e: {  	[hbm4b:s11+s2] =	stream.linear.scatter [tilespmem:s4], [sflag:$0x4], $0x8000, $0x38;
	[tilespmem:$0x10000] =	vst v63  }
0x9f: {  	_ =	swait.ge [sflag:s8], $0x8000  }
0xa0: {  	[sflag:s8] =	ssyncset.done $0x0  }
0xa1: {  	[sflag:s8] =	ssyncadd.s32 $0xFFFF8000  }
0xa2: {  	[tilespmem:s4], [sflag:$0x2] =	stream.linear.gather [hbm4b:s12+s2], $0x8000, $0x38;
	[tilespmem:$0x10000] =	vst v63  }
0xa3: {  	_ =	swait.ge [sflag:s5], $0x8000  }
0xa4: {  	[sflag:s5] =	ssyncset.done $0x0  }
0xa5: {  	[sflag:s5] =	ssyncadd.s32 $0xFFFF8000  }
0xa6: {  	[hbm4b:s13+s2] =	stream.linear.scatter [tilespmem:s2], [sflag:$0x3], $0x8000, $0x38;
	[tilespmem:$0x10000] =	vst v63  }
0xa7: {  	_ =	swait.ge [sflag:s6], $0x8000  }
0xa8: {  	[sflag:s6] =	ssyncset.done $0x0  }
0xa9: {  	[sflag:s6] =	ssyncadd.s32 $0xFFFF8000  }
0xaa: {  	[tilespmem:s2], [sflag:$0x1] =	stream.linear.gather [hbm4b:s14+s2], $0x8000, $0x38;
	[tilespmem:$0x10000] =	vst v63  }
0xab: {  	_ =	swait.ge [sflag:s7], $0x8000  }
0xac: {  	[sflag:s7] =	ssyncset.done $0x0  }
0xad: {  	[sflag:s7] =	ssyncadd.s32 $0xFFFF8000  }
0xae: {  	[hbm4b:s15+s2] =	stream.linear.scatter [tilespmem:s4], [sflag:$0x4], $0x8000, $0x38;
	[tilespmem:$0x10000] =	vst v63  }
0xaf: {  	_ =	swait.ge [sflag:s8], $0x8000  }
0xb0: {  	[sflag:s8] =	ssyncset.done $0x0  }
0xb1: {  	[sflag:s8] =	ssyncadd.s32 $0xFFFF8000  }
0xb2: {  	[tilespmem:s4], [sflag:$0x2] =	stream.linear.gather [hbm4b:s16+s2], $0x8000, $0x38;
	[tilespmem:$0x10000] =	vst v63  }
0xb3: {  	_ =	swait.ge [sflag:s5], $0x8000  }
0xb4: {  	[sflag:s5] =	ssyncset.done $0x0  }
0xb5: {  	[sflag:s5] =	ssyncadd.s32 $0xFFFF8000  }
0xb6: {  	[hbm4b:s17+s2] =	stream.linear.scatter [tilespmem:s2], [sflag:$0x3], $0x8000, $0x38;
	[tilespmem:$0x10000] =	vst v63  }
0xb7: {  	_ =	swait.ge [sflag:s6], $0x8000  }
0xb8: {  	[sflag:s6] =	ssyncset.done $0x0  }
0xb9: {  	[sflag:s6] =	ssyncadd.s32 $0xFFFF8000  }
0xba: {  	[tilespmem:s2], [sflag:$0x1] =	stream.linear.gather [hbm4b:s18+s2], $0x8000, $0x38;
	[tilespmem:$0x10000] =	vst v63  }
0xbb: {  	_ =	swait.ge [sflag:s7], $0x8000  }
0xbc: {  	[sflag:s7] =	ssyncset.done $0x0  }
0xbd: {  	[sflag:s7] =	ssyncadd.s32 $0xFFFF8000  }
0xbe: {  	[hbm4b:s19+s2] =	stream.linear.scatter [tilespmem:s4], [sflag:$0x4], $0x8000, $0x38;
	[tilespmem:$0x10000] =	vst v63  }
0xbf: {  	_ =	swait.ge [sflag:s8], $0x8000  }
0xc0: {  	[sflag:s8] =	ssyncset.done $0x0  }
0xc1: {  	[sflag:s8] =	ssyncadd.s32 $0xFFFF8000  }
0xc2: {  	[tilespmem:s4], [sflag:$0x2] =	stream.linear.gather [hbm4b:s20+s2], $0x8000, $0x38;
	[tilespmem:$0x10000] =	vst v63  }
0xc3: {  	_ =	swait.ge [sflag:s5], $0x8000  }
0xc4: {  	[sflag:s5] =	ssyncset.done $0x0  }
0xc5: {  	[sflag:s5] =	ssyncadd.s32 $0xFFFF8000  }
0xc6: {  	[hbm4b:s21+s2] =	stream.linear.scatter [tilespmem:s2], [sflag:$0x3], $0x8000, $0x38;
	[tilespmem:$0x10000] =	vst v63  }
0xc7: {  	_ =	swait.ge [sflag:s6], $0x8000  }
0xc8: {  	[sflag:s6] =	ssyncset.done $0x0  }
0xc9: {  	[sflag:s6] =	ssyncadd.s32 $0xFFFF8000  }
0xca: {  	[tilespmem:s2], [sflag:$0x1] =	stream.linear.gather [hbm4b:s22+s2], $0x8000, $0x38;
	[tilespmem:$0x10000] =	vst v63  }
0xcb: {  	_ =	swait.ge [sflag:s7], $0x8000  }
0xcc: {  	[sflag:s7] =	ssyncset.done $0x0  }
0xcd: {  	[sflag:s7] =	ssyncadd.s32 $0xFFFF8000  }
0xce: {  	[hbm4b:s23+s2] =	stream.linear.scatter [tilespmem:s4], [sflag:$0x4], $0x8000, $0x38;
	[tilespmem:$0x10000] =	vst v63  }
0xcf: {  	_ =	swait.ge [sflag:s8], $0x8000  }
0xd0: {  	[sflag:s8] =	ssyncset.done $0x0  }
0xd1: {  	[sflag:s8] =	ssyncadd.s32 $0xFFFF8000  }
0xd2: {  	[tilespmem:s4], [sflag:$0x2] =	stream.linear.gather [hbm4b:s24+s2], $0x8000, $0x38;
	[tilespmem:$0x10000] =	vst v63  }
0xd3: {  	_ =	swait.ge [sflag:s5], $0x8000  }
0xd4: {  	[sflag:s5] =	ssyncset.done $0x0  }
0xd5: {  	[sflag:s5] =	ssyncadd.s32 $0xFFFF8000  }
0xd6: {  	[hbm4b:s25+s2] =	stream.linear.scatter [tilespmem:s2], [sflag:$0x3], $0x8000, $0x38;
	[tilespmem:$0x10000] =	vst v63  }
0xd7: {  	_ =	swait.ge [sflag:s6], $0x8000  }
0xd8: {  	[sflag:s6] =	ssyncset.done $0x0  }
0xd9: {  	[sflag:s6] =	ssyncadd.s32 $0xFFFF8000  }
0xda: {  	[tilespmem:s2], [sflag:$0x1] =	stream.linear.gather [hbm4b:s26+s2], $0x8000, $0x38;
	[tilespmem:$0x10000] =	vst v63  }
0xdb: {  	_ =	swait.ge [sflag:s7], $0x8000  }
0xdc: {  	[sflag:s7] =	ssyncset.done $0x0  }
0xdd: {  	[sflag:s7] =	ssyncadd.s32 $0xFFFF8000  }
0xde: {  	[hbm4b:s28+s2] =	stream.linear.scatter [tilespmem:s4], [sflag:$0x4], $0x8000, $0x38;
	[tilespmem:$0x10000] =	vst v63  }
0xdf: {  	_ =	swait.ge [sflag:s8], $0x8000  }
0xe0: {  	[sflag:s8] =	ssyncset.done $0x0  }
0xe1: {  	[sflag:s8] =	ssyncadd.s32 $0xFFFF8000  }
0xe2: {  	[tilespmem:s4], [sflag:$0x2] =	stream.linear.gather [hbm4b:s29+s2], $0x8000, $0x38;
	[tilespmem:$0x10000] =	vst v63  }
0xe3: {  	_ =	swait.ge [sflag:s5], $0x8000  }
0xe4: {  	[sflag:s5] =	ssyncset.done $0x0  }
0xe5: {  	[sflag:s5] =	ssyncadd.s32 $0xFFFF8000  }
0xe6: {  	[hbm4b:s30+s2] =	stream.linear.scatter [tilespmem:s2], [sflag:$0x3], $0x8000, $0x38;
	[tilespmem:$0x10000] =	vst v63  }
0xe7: {  	_ =	swait.ge [sflag:s7], $0x8000  }
0xe8: {  	[sflag:s7] =	ssyncset.done $0x0  }
0xe9: {  	p0 =	sne.s32 s1, $0x1;
	[sflag:s7] =	ssyncadd.s32 $0xFFFF8000  }
0xea: {  	[hbm4b:s31+s2] =	stream.linear.scatter [tilespmem:s4], [sflag:$0x4], $0x8000, $0x38;
	[tilespmem:$0x10000] =	vst v63  }
.Ltmp1:
0xeb: {  	_ =	swait.ge [sflag:s6], $0x8000;
	(pc) =	sbr.rel @p0 .LBB2_1-.Ltmp1, $4  }
0xec: {  	[sflag:s6] =	ssyncset.done $0x0  }
0xed: {  	[sflag:s6] =	ssyncadd.s32 $0xFFFF8000  }
0xee: {  	_ =	swait.ge [sflag:s8], $0x8000  }
0xef: {  	s1 =	sadd.s32 $0xFFFFFFFF, s1;
	[sflag:s8] =	ssyncset.done $0x0  }
.LBB2_2:
0xf0: {  	[sflag:s8] =	ssyncadd.s32 $0xFFFF8000  }
0xf1: {  	_ =	sfence.sel $0x180000  }
0xf2: {  	[bflag:$0x0] =	sbarrier.arrive $0xFFFF  }
0xf3: {  	_ =	strace $0x90000047  }
0xf4: {  	s0 =	stileid.u32;
	[bflag:$0x2] =	sbarrier.arrive $0xFFFF  }
0xf5: {  	p0 =	sne.s32 s0, $0x0;
	s0 =	rddreg [dreg:$0x2]  }
0xf6: {  	s0 =	sadd.s32 @!p0 $0x100000, s0  }
0xf7: {  	[sflag:s0] =	ssyncadd.tile.s32 @!p0 $0x1;
	_ =	shalt  }
.Lfunc_end2:
_tile_overlayer_lowered:
.L_overlay_start_2:
0xf8: {  	(tag) =	ssettag $0x2  }
0xf9: {  	s0 =	rddreg [dreg:$0x0];
	s2 =	stileid.u32  }
0xfa: {  	s1 =	rddreg [dreg:$0x1];
	p0 =	sne.s32 s2, $0x0  }
0xfb: {  	s3 =	rddreg [dreg:$0x2];
	[bflag:$0x3] =	sbarrier.arrive $0xFFFF;
	s2 =	simm.s32 @!p0 $0x1C05  }
0xfc: {  	[timem:s3], [sflag:s2] =	dma.local @!p0 [hbm:s0], s1  }
0xfd: {  	s0 =	simm.s32 @!p0 $0x5  }
0xfe: {  	_ =	swait.ge @!p0 [sflag:s0], s1  }
0xff: {  	s1 =	ssub.s32 @!p0 $0x0, s1;
	[sflag:s0] =	ssyncset.done @!p0 $0x0  }
0x100: {  	[sflag:s0] =	ssyncadd.s32 @!p0 s1  }
0x101: {  	[bflag:$0x3] =	sbarrier.arrive $0xFFFF  }
0x102: {  	_ =	shalt  }

</sc_bundles>
